<compile_context>
chip_gen: v7x
topology: tpu7x:2x2x1
jax: 0.10.2.dev20260603
libtpu: 0.0.44.dev20260713+nightly
codegen_flags: <defaults>
</compile_context>

<pallas_src>
import functools

import jax
import jax.numpy as jnp
from jax import lax
from jax.experimental import pallas as pl
from jax.experimental.pallas import tpu as pltpu
from jax.experimental.pallas import tpu_sc as plsc

Q_EXP = 0.9183
P_EXP = 4.5791
A_COEF = 1.0805

N_NODES = 100000
N_PAD = 102400
NELEM = 10
E_EDGES = 6400000

NC = 2
NS = 16
L = 16
NW = NC * NS
CHUNK = 2560
TCHUNK = E_EDGES // CHUNK
KMAX = (TCHUNK + NW - 1) // NW

NODE_ROWS = 800
NODE_BLK = 80
EW_BLK = 128000


def _node_radii_body(attrs_ref, rad_ref, out_ref):
    best = attrs_ref[0]
    r = jnp.full((NODE_BLK, 128), rad_ref[0], dtype=jnp.float32)
    for j in range(1, NELEM):
        c = attrs_ref[j]
        m = c > best
        best = jnp.where(m, c, best)
        r = jnp.where(m, rad_ref[j], r)
    out_ref[...] = r


def _node_radii(attrs_t, rad_half):
    return pl.pallas_call(
        _node_radii_body,
        grid=(NODE_ROWS // NODE_BLK,),
        in_specs=[
            pl.BlockSpec((NELEM, NODE_BLK, 128), lambda i: (0, i, 0)),
            pl.BlockSpec(memory_space=pltpu.SMEM),
        ],
        out_specs=pl.BlockSpec((NODE_BLK, 128), lambda i: (i, 0)),
        out_shape=jax.ShapeDtypeStruct((NODE_ROWS, 128), jnp.float32),
    )(attrs_t, rad_half)


@functools.partial(
    pl.kernel,
    mesh=plsc.VectorSubcoreMesh(core_axis_name="c", subcore_axis_name="s"),
    out_type=jax.ShapeDtypeStruct((E_EDGES,), jnp.float32),
    compiler_params=pltpu.CompilerParams(needs_layout_passes=False),
    scratch_types=[
        pltpu.VMEM((N_NODES,), jnp.float32),
        pltpu.VMEM((2, CHUNK), jnp.int32),
        pltpu.VMEM((2, CHUNK), jnp.int32),
        pltpu.VMEM((CHUNK,), jnp.float32),
        pltpu.VMEM((CHUNK,), jnp.float32),
        pltpu.SemaphoreType.DMA,
        pltpu.SemaphoreType.DMA,
        pltpu.SemaphoreType.DMA,
        pltpu.SemaphoreType.DMA,
])
def _edge_gather(edge_hbm, rhalf_hbm, out_hbm, tbl, ebuf0, ebuf1,
                 obuf0, obuf1, si0, si1, so0, so1):
    wid = lax.axis_index("s") * NC + lax.axis_index("c")
    ebuf = (ebuf0, ebuf1)
    obuf = (obuf0, obuf1)
    si = (si0, si1)
    so = (so0, so1)

    def valid(k):
        return wid + NW * k < TCHUNK

    def in_copy(b, k):
        off = (wid + NW * k) * CHUNK
        return pltpu.make_async_copy(edge_hbm.at[:, pl.ds(off, CHUNK)],
                                     ebuf[b], si[b])

    def out_copy(b, k):
        off = (wid + NW * k) * CHUNK
        return pltpu.make_async_copy(obuf[b],
                                     out_hbm.at[pl.ds(off, CHUNK)], so[b])

    for b in range(2):
        @pl.when(valid(b))
        def _():
            in_copy(b, b).start()
    pltpu.sync_copy(rhalf_hbm.at[pl.ds(0, N_NODES)], tbl)

    @pl.loop(0, KMAX, step=2)
    def _chunks(k0):
        for b in range(2):
            k = k0 + b

            @pl.when(valid(k))
            def _():
                in_copy(b, k).wait()

                @pl.when(k >= 2)
                def _():
                    out_copy(b, k - 2).wait()

                ob = obuf[b]
                eb = ebuf[b]

                @plsc.parallel_loop(0, CHUNK, step=L, unroll=10)
                def _vecs(i):
                    s = eb[0, pl.ds(i, L)]
                    r = eb[1, pl.ds(i, L)]
                    ob[pl.ds(i, L)] = (plsc.load_gather(tbl, [s])
                                       + plsc.load_gather(tbl, [r]))

                out_copy(b, k).start()

                @pl.when(valid(k + 2))
                def _():
                    in_copy(b, k + 2).start()

    nvalid = (TCHUNK - wid + NW - 1) // NW
    for b in range(2):
        for klast in (nvalid - 1, nvalid - 2):
            @pl.when((klast >= 0) & (klast % 2 == b))
            def _():
                out_copy(b, klast).wait()


def _agnesi_body(x_ref, r0_ref, o_ref):
    t = x_ref[...] / r0_ref[...]
    lt = jnp.log(t)
    s = jnp.exp(Q_EXP * lt)
    w = jnp.exp((Q_EXP - P_EXP) * lt)
    o_ref[...] = (1.0 + w) / (1.0 + w + A_COEF * s)


def _agnesi(x1d, r01d):
    return pl.pallas_call(
        _agnesi_body,
        grid=(E_EDGES // EW_BLK,),
        in_specs=[
            pl.BlockSpec((EW_BLK,), lambda i: (i,)),
            pl.BlockSpec((EW_BLK,), lambda i: (i,)),
        ],
        out_specs=pl.BlockSpec((EW_BLK,), lambda i: (i,)),
        out_shape=jax.ShapeDtypeStruct((E_EDGES,), jnp.float32),
    )(x1d, r01d)


def kernel(x, node_attrs, edge_index, atomic_numbers, covalent_radii):
    edge_index = edge_index.astype(jnp.int32)
    rad_half = (0.5 * covalent_radii)[atomic_numbers.astype(jnp.int32)]
    attrs_t = jnp.pad(node_attrs.T, ((0, 0), (0, N_PAD - N_NODES)))
    attrs_t = attrs_t.reshape(NELEM, NODE_ROWS, 128)
    r_node = _node_radii(attrs_t, rad_half)
    r0 = _edge_gather(edge_index,
                      r_node.reshape(-1))
    y = _agnesi(x.reshape(-1), r0)
    return y.reshape(E_EDGES, 1)

# --- scband reference (transcript-rebuilt; emitter-appended) ---
"""Pipeline reference for scband-agnesi-transform-15968688406958 (READ-ONLY COPY).

The authoritative reference and input builder live on the scoring server;
editing this copy changes nothing except your own understanding.
"""

import jax, jax.numpy as jnp
import numpy as np

Q = 0.9183
P = 4.5791
A = 1.0805


def setup_inputs(seed: int = 0) -> dict:
    key = jax.random.key(seed)
    k1, k2, k3, k4, k5 = jax.random.split(key, 5)
    E = 6400000
    N = 100000
    NELEM = 10
    x = jax.random.uniform(k1, (E, 1), dtype=jnp.float32, minval=0.1, maxval=3.0)
    node_attrs = jax.random.uniform(k2, (N, NELEM), dtype=jnp.float32)
    edge_index = jax.random.randint(k3, (2, E), 0, N, dtype=jnp.int64)
    atomic_numbers = jax.random.randint(k4, (NELEM,), 1, 100, dtype=jnp.int64)
    # buffer: ase.data.covalent_radii surrogate (119 entries, positive radii in Angstrom)
    covalent_radii = jnp.asarray(np.linspace(0.31, 2.6, 119), dtype=jnp.float32)
    return {
        "x": x,
        "node_attrs": node_attrs,
        "edge_index": edge_index,
        "atomic_numbers": atomic_numbers,
        "covalent_radii": covalent_radii,
    }


def reference(x, node_attrs, edge_index, atomic_numbers, covalent_radii):
    sender = edge_index[0]
    receiver = edge_index[1]
    node_atomic_numbers = atomic_numbers[jnp.argmax(node_attrs, axis=1)][:, None]
    Z_u = node_atomic_numbers[sender]
    Z_v = node_atomic_numbers[receiver]
    r_0 = 0.5 * (covalent_radii[Z_u] + covalent_radii[Z_v])
    r_over_r_0 = x / r_0
    return 1.0 / (1.0 + A * jnp.power(r_over_r_0, Q) / (1.0 + jnp.power(r_over_r_0, Q - P)))

if __name__ == "__main__":
    import jax
    _d = setup_inputs()
    print(jax.jit(kernel)(*tuple(_d.values())))

</pallas_src>

<mosaic_0001>
#map = affine_map<(d0, d1) -> (0, 0)>
#map1 = affine_map<(d0, d1) -> (0)>
module attributes {stable_mosaic.version = 14 : i64} {
  func.func @_edge_gather(%arg0: i32, %arg1: i32, %arg2: memref<2x6400000xi32, #tpu.memory_space<hbm>>, %arg3: memref<102400xf32, #tpu.memory_space<hbm>>, %arg4: memref<6400000xf32, #tpu.memory_space<hbm>>, %arg5: memref<100000xf32, #tpu.memory_space<vmem>>, %arg6: memref<2x2560xi32, #tpu.memory_space<vmem>>, %arg7: memref<2x2560xi32, #tpu.memory_space<vmem>>, %arg8: memref<2560xf32, #tpu.memory_space<vmem>>, %arg9: memref<2560xf32, #tpu.memory_space<vmem>>, %arg10: memref<!tpu.dma_semaphore, #tpu.memory_space<semaphore_mem>>, %arg11: memref<!tpu.dma_semaphore, #tpu.memory_space<semaphore_mem>>, %arg12: memref<!tpu.dma_semaphore, #tpu.memory_space<semaphore_mem>>, %arg13: memref<!tpu.dma_semaphore, #tpu.memory_space<semaphore_mem>>) attributes {dimension_semantics = [#tpu.dimension_semantics<core_parallel>, #tpu.dimension_semantics<subcore_parallel>], iteration_bounds = array<i64: 2, 16>, scalar_prefetch = 0 : i64, scratch_operands = 9 : i64, tpu.core_type = #tpu.core_type<sc_vector_subcore>, window_params = [{transform_indices = #map}, {transform_indices = #map1}, {transform_indices = #map1}]} {
    %mul3A = arith.constant 2 : i32
    %mul3A_0 = arith.muli %arg1, %mul3A : i32
    %add3A = arith.addi %mul3A_0, %arg0 : i32
    %add3A_1 = arith.constant 0 : i32
    %add3A_2 = arith.addi %add3A, %add3A_1 : i32
    %lt3A = arith.constant 2500 : i32
    %lt3A_3 = arith.cmpi slt, %add3A_2, %lt3A : i32
    %convert_element_type3A = arith.extui %lt3A_3 : i1 to i32
    %cond3A = arith.constant 0 : i32
    %cond3A_4 = arith.cmpi ne, %convert_element_type3A, %cond3A : i32
    scf.if %cond3A_4 {
      %add3A_140 = arith.constant 0 : i32
      %add3A_141 = arith.addi %add3A, %add3A_140 : i32
      %mul3A_142 = arith.constant 2560 : i32
      %mul3A_143 = arith.muli %add3A_141, %mul3A_142 : i32
      %dma_start3A = arith.constant 0 : i32
      %dma_start3A_144 = tpu.memref_slice %arg2[%dma_start3A, %mul3A_143] : memref<2x6400000xi32, #tpu.memory_space<hbm>> -> memref<2x2560xi32, #tpu.memory_space<hbm>>
      %dma_start3A_145 = arith.constant 0 : i32
      %dma_start3A_146 = tpu.memref_slice %arg2[%dma_start3A_145, %mul3A_143] : memref<2x6400000xi32, #tpu.memory_space<hbm>> -> memref<2x2560xi32, #tpu.memory_space<hbm>>
      tpu.enqueue_dma source(%dma_start3A_146 : memref<2x2560xi32, #tpu.memory_space<hbm>>) target(%arg6 : memref<2x2560xi32, #tpu.memory_space<vmem>>) target_semaphore(%arg10 : memref<!tpu.dma_semaphore, #tpu.memory_space<semaphore_mem>>)
    } else {
    }
    %add3A_5 = arith.constant 32 : i32
    %add3A_6 = arith.addi %add3A, %add3A_5 : i32
    %lt3A_7 = arith.constant 2500 : i32
    %lt3A_8 = arith.cmpi slt, %add3A_6, %lt3A_7 : i32
    %convert_element_type3A_9 = arith.extui %lt3A_8 : i1 to i32
    %cond3A_10 = arith.constant 0 : i32
    %cond3A_11 = arith.cmpi ne, %convert_element_type3A_9, %cond3A_10 : i32
    scf.if %cond3A_11 {
      %add3A_140 = arith.constant 32 : i32
      %add3A_141 = arith.addi %add3A, %add3A_140 : i32
      %mul3A_142 = arith.constant 2560 : i32
      %mul3A_143 = arith.muli %add3A_141, %mul3A_142 : i32
      %dma_start3A = arith.constant 0 : i32
      %dma_start3A_144 = tpu.memref_slice %arg2[%dma_start3A, %mul3A_143] : memref<2x6400000xi32, #tpu.memory_space<hbm>> -> memref<2x2560xi32, #tpu.memory_space<hbm>>
      %dma_start3A_145 = arith.constant 0 : i32
      %dma_start3A_146 = tpu.memref_slice %arg2[%dma_start3A_145, %mul3A_143] : memref<2x6400000xi32, #tpu.memory_space<hbm>> -> memref<2x2560xi32, #tpu.memory_space<hbm>>
      tpu.enqueue_dma source(%dma_start3A_146 : memref<2x2560xi32, #tpu.memory_space<hbm>>) target(%arg7 : memref<2x2560xi32, #tpu.memory_space<vmem>>) target_semaphore(%arg11 : memref<!tpu.dma_semaphore, #tpu.memory_space<semaphore_mem>>)
    } else {
    }
    "tpu.region"() ({
      %run_scoped3A = tpu.sem_alloc : memref<!tpu.dma_semaphore, #tpu.memory_space<semaphore_mem>>
      %dma_start3A = arith.constant 0 : i32
      %dma_start3A_140 = tpu.memref_slice %arg3[%dma_start3A] : memref<102400xf32, #tpu.memory_space<hbm>> -> memref<100000xf32, #tpu.memory_space<hbm>>
      %dma_start3A_141 = arith.constant 0 : i32
      %dma_start3A_142 = tpu.memref_slice %arg3[%dma_start3A_141] : memref<102400xf32, #tpu.memory_space<hbm>> -> memref<100000xf32, #tpu.memory_space<hbm>>
      tpu.enqueue_dma source(%dma_start3A_142 : memref<100000xf32, #tpu.memory_space<hbm>>) target(%arg5 : memref<100000xf32, #tpu.memory_space<vmem>>) target_semaphore(%run_scoped3A : memref<!tpu.dma_semaphore, #tpu.memory_space<semaphore_mem>>)
      %dma_wait3A = arith.constant 0 : i32
      %dma_wait3A_143 = tpu.memref_slice %arg3[%dma_wait3A] : memref<102400xf32, #tpu.memory_space<hbm>> -> memref<100000xf32, #tpu.memory_space<hbm>>
      %dma_wait3A_144 = arith.constant 0 : i32
      %dma_wait3A_145 = tpu.memref_slice %arg3[%dma_wait3A_144] : memref<102400xf32, #tpu.memory_space<hbm>> -> memref<100000xf32, #tpu.memory_space<hbm>>
      tpu.wait_dma2 semaphore(%run_scoped3A : memref<!tpu.dma_semaphore, #tpu.memory_space<semaphore_mem>>) src(%dma_wait3A_145 : memref<100000xf32, #tpu.memory_space<hbm>>) dst(%arg5 : memref<100000xf32, #tpu.memory_space<vmem>>)
      tpu.yield
    }) : () -> ()
    %scan3A = arith.constant 0 : i32
    %scan3A_12 = arith.constant 40 : i32
    %scan3A_13 = arith.addi %scan3A, %scan3A_12 : i32
    %scan3A_14 = arith.constant 1 : i32
    scf.for %scan3A_140 = %scan3A to %scan3A_13 step %scan3A_14  : i32 {
      %mul3A_141 = arith.constant 2 : i32
      %mul3A_142 = arith.muli %scan3A_140, %mul3A_141 : i32
      %add3A_143 = arith.constant 0 : i32
      %add3A_144 = arith.addi %add3A_143, %mul3A_142 : i32
      %add3A_145 = arith.constant 0 : i32
      %add3A_146 = arith.addi %add3A_144, %add3A_145 : i32
      %mul3A_147 = arith.constant 32 : i32
      %mul3A_148 = arith.muli %mul3A_147, %add3A_146 : i32
      %add3A_149 = arith.addi %add3A, %mul3A_148 : i32
      %lt3A_150 = arith.constant 2500 : i32
      %lt3A_151 = arith.cmpi slt, %add3A_149, %lt3A_150 : i32
      %convert_element_type3A_152 = arith.extui %lt3A_151 : i1 to i32
      %cond3A_153 = arith.constant 0 : i32
      %cond3A_154 = arith.cmpi ne, %convert_element_type3A_152, %cond3A_153 : i32
      scf.if %cond3A_154 {
        %mul3A_165 = arith.constant 32 : i32
        %mul3A_166 = arith.muli %mul3A_165, %add3A_146 : i32
        %add3A_167 = arith.addi %add3A, %mul3A_166 : i32
        %mul3A_168 = arith.constant 2560 : i32
        %mul3A_169 = arith.muli %add3A_167, %mul3A_168 : i32
        %dma_wait3A = arith.constant 0 : i32
        %dma_wait3A_170 = tpu.memref_slice %arg2[%dma_wait3A, %mul3A_169] : memref<2x6400000xi32, #tpu.memory_space<hbm>> -> memref<2x2560xi32, #tpu.memory_space<hbm>>
        %dma_wait3A_171 = arith.constant 0 : i32
        %dma_wait3A_172 = tpu.memref_slice %arg2[%dma_wait3A_171, %mul3A_169] : memref<2x6400000xi32, #tpu.memory_space<hbm>> -> memref<2x2560xi32, #tpu.memory_space<hbm>>
        tpu.wait_dma2 semaphore(%arg10 : memref<!tpu.dma_semaphore, #tpu.memory_space<semaphore_mem>>) src(%dma_wait3A_172 : memref<2x2560xi32, #tpu.memory_space<hbm>>) dst(%arg6 : memref<2x2560xi32, #tpu.memory_space<vmem>>)
        %ge3A_173 = arith.constant 2 : i32
        %ge3A_174 = arith.cmpi sge, %add3A_146, %ge3A_173 : i32
        %convert_element_type3A_175 = arith.extui %ge3A_174 : i1 to i32
        %cond3A_176 = arith.constant 0 : i32
        %cond3A_177 = arith.cmpi ne, %convert_element_type3A_175, %cond3A_176 : i32
        scf.if %cond3A_177 {
          %sub3A_196 = arith.constant 2 : i32
          %sub3A_197 = arith.subi %add3A_146, %sub3A_196 : i32
          %mul3A_198 = arith.constant 32 : i32
          %mul3A_199 = arith.muli %mul3A_198, %sub3A_197 : i32
          %add3A_200 = arith.addi %add3A, %mul3A_199 : i32
          %mul3A_201 = arith.constant 2560 : i32
          %mul3A_202 = arith.muli %add3A_200, %mul3A_201 : i32
          %dma_wait3A_203 = tpu.memref_slice %arg4[%mul3A_202] : memref<6400000xf32, #tpu.memory_space<hbm>> -> memref<2560xf32, #tpu.memory_space<hbm>>
          %dma_wait3A_204 = tpu.memref_slice %arg4[%mul3A_202] : memref<6400000xf32, #tpu.memory_space<hbm>> -> memref<2560xf32, #tpu.memory_space<hbm>>
          tpu.wait_dma2 semaphore(%arg12 : memref<!tpu.dma_semaphore, #tpu.memory_space<semaphore_mem>>) src(%arg8 : memref<2560xf32, #tpu.memory_space<vmem>>) dst(%dma_wait3A_204 : memref<2560xf32, #tpu.memory_space<hbm>>)
        } else {
        }
        %parallel_loop3A = arith.constant 0 : i32
        %parallel_loop3A_178 = arith.constant 2560 : i32
        %parallel_loop3A_179 = arith.constant 16 : i32
        scf.for %parallel_loop3A_196 = %parallel_loop3A to %parallel_loop3A_178 step %parallel_loop3A_179  : i32 {
          %parallel_loop3A_197 = arith.constant 0 : i32
          %parallel_loop3A_198 = arith.index_cast %parallel_loop3A_197 : i32 to index
          %parallel_loop3A_199 = arith.index_cast %parallel_loop3A_196 : i32 to index
          %parallel_loop3A_200 = tpu.vector_load %arg6[%parallel_loop3A_198, %parallel_loop3A_199] {strides = array<i32>} : memref<2x2560xi32, #tpu.memory_space<vmem>>, vector<16xi32>,
          %parallel_loop3A_201 = arith.constant 1 : i32
          %parallel_loop3A_202 = arith.index_cast %parallel_loop3A_201 : i32 to index
          %parallel_loop3A_203 = arith.index_cast %parallel_loop3A_196 : i32 to index
          %parallel_loop3A_204 = tpu.vector_load %arg6[%parallel_loop3A_202, %parallel_loop3A_203] {strides = array<i32>} : memref<2x2560xi32, #tpu.memory_space<vmem>>, vector<16xi32>,
          %parallel_loop3A_205 = tpu.vector_load_idx %arg5[%parallel_loop3A_200] : memref<100000xf32, #tpu.memory_space<vmem>>[vector<16xi32>], vector<16xf32>,
          %parallel_loop3A_206 = tpu.vector_load_idx %arg5[%parallel_loop3A_204] : memref<100000xf32, #tpu.memory_space<vmem>>[vector<16xi32>], vector<16xf32>,
          %parallel_loop3A_207 = arith.addf %parallel_loop3A_205, %parallel_loop3A_206 : vector<16xf32>
          %parallel_loop3A_208 = arith.index_cast %parallel_loop3A_196 : i32 to index
          %parallel_loop3A_209 = tpu.vector_load %arg8[%parallel_loop3A_208] {strides = array<i32>} : memref<2560xf32, #tpu.memory_space<vmem>>, vector<16xf32>,
          tpu.vector_store %arg8[%parallel_loop3A_208], %parallel_loop3A_207 {strides = array<i32>} : memref<2560xf32, #tpu.memory_space<vmem>>, vector<16xf32>,
        } {sc.loop_unroll_factor = 10 : i64, sc.parallel_access}
        %mul3A_180 = arith.constant 32 : i32
        %mul3A_181 = arith.muli %mul3A_180, %add3A_146 : i32
        %add3A_182 = arith.addi %add3A, %mul3A_181 : i32
        %mul3A_183 = arith.constant 2560 : i32
        %mul3A_184 = arith.muli %add3A_182, %mul3A_183 : i32
        %dma_start3A = tpu.memref_slice %arg4[%mul3A_184] : memref<6400000xf32, #tpu.memory_space<hbm>> -> memref<2560xf32, #tpu.memory_space<hbm>>
        %dma_start3A_185 = tpu.memref_slice %arg4[%mul3A_184] : memref<6400000xf32, #tpu.memory_space<hbm>> -> memref<2560xf32, #tpu.memory_space<hbm>>
        tpu.enqueue_dma source(%arg8 : memref<2560xf32, #tpu.memory_space<vmem>>) target(%dma_start3A_185 : memref<2560xf32, #tpu.memory_space<hbm>>) target_semaphore(%arg12 : memref<!tpu.dma_semaphore, #tpu.memory_space<semaphore_mem>>)
        %add3A_186 = arith.constant 2 : i32
        %add3A_187 = arith.addi %add3A_146, %add3A_186 : i32
        %mul3A_188 = arith.constant 32 : i32
        %mul3A_189 = arith.muli %mul3A_188, %add3A_187 : i32
        %add3A_190 = arith.addi %add3A, %mul3A_189 : i32
        %lt3A_191 = arith.constant 2500 : i32
        %lt3A_192 = arith.cmpi slt, %add3A_190, %lt3A_191 : i32
        %convert_element_type3A_193 = arith.extui %lt3A_192 : i1 to i32
        %cond3A_194 = arith.constant 0 : i32
        %cond3A_195 = arith.cmpi ne, %convert_element_type3A_193, %cond3A_194 : i32
        scf.if %cond3A_195 {
          %add3A_196 = arith.constant 2 : i32
          %add3A_197 = arith.addi %add3A_146, %add3A_196 : i32
          %mul3A_198 = arith.constant 32 : i32
          %mul3A_199 = arith.muli %mul3A_198, %add3A_197 : i32
          %add3A_200 = arith.addi %add3A, %mul3A_199 : i32
          %mul3A_201 = arith.constant 2560 : i32
          %mul3A_202 = arith.muli %add3A_200, %mul3A_201 : i32
          %dma_start3A_203 = arith.constant 0 : i32
          %dma_start3A_204 = tpu.memref_slice %arg2[%dma_start3A_203, %mul3A_202] : memref<2x6400000xi32, #tpu.memory_space<hbm>> -> memref<2x2560xi32, #tpu.memory_space<hbm>>
          %dma_start3A_205 = arith.constant 0 : i32
          %dma_start3A_206 = tpu.memref_slice %arg2[%dma_start3A_205, %mul3A_202] : memref<2x6400000xi32, #tpu.memory_space<hbm>> -> memref<2x2560xi32, #tpu.memory_space<hbm>>
          tpu.enqueue_dma source(%dma_start3A_206 : memref<2x2560xi32, #tpu.memory_space<hbm>>) target(%arg6 : memref<2x2560xi32, #tpu.memory_space<vmem>>) target_semaphore(%arg10 : memref<!tpu.dma_semaphore, #tpu.memory_space<semaphore_mem>>)
        } else {
        }
      } else {
      }
      %add3A_155 = arith.constant 1 : i32
      %add3A_156 = arith.addi %add3A_144, %add3A_155 : i32
      %mul3A_157 = arith.constant 32 : i32
      %mul3A_158 = arith.muli %mul3A_157, %add3A_156 : i32
      %add3A_159 = arith.addi %add3A, %mul3A_158 : i32
      %lt3A_160 = arith.constant 2500 : i32
      %lt3A_161 = arith.cmpi slt, %add3A_159, %lt3A_160 : i32
      %convert_element_type3A_162 = arith.extui %lt3A_161 : i1 to i32
      %cond3A_163 = arith.constant 0 : i32
      %cond3A_164 = arith.cmpi ne, %convert_element_type3A_162, %cond3A_163 : i32
      scf.if %cond3A_164 {
        %mul3A_165 = arith.constant 32 : i32
        %mul3A_166 = arith.muli %mul3A_165, %add3A_156 : i32
        %add3A_167 = arith.addi %add3A, %mul3A_166 : i32
        %mul3A_168 = arith.constant 2560 : i32
        %mul3A_169 = arith.muli %add3A_167, %mul3A_168 : i32
        %dma_wait3A = arith.constant 0 : i32
        %dma_wait3A_170 = tpu.memref_slice %arg2[%dma_wait3A, %mul3A_169] : memref<2x6400000xi32, #tpu.memory_space<hbm>> -> memref<2x2560xi32, #tpu.memory_space<hbm>>
        %dma_wait3A_171 = arith.constant 0 : i32
        %dma_wait3A_172 = tpu.memref_slice %arg2[%dma_wait3A_171, %mul3A_169] : memref<2x6400000xi32, #tpu.memory_space<hbm>> -> memref<2x2560xi32, #tpu.memory_space<hbm>>
        tpu.wait_dma2 semaphore(%arg11 : memref<!tpu.dma_semaphore, #tpu.memory_space<semaphore_mem>>) src(%dma_wait3A_172 : memref<2x2560xi32, #tpu.memory_space<hbm>>) dst(%arg7 : memref<2x2560xi32, #tpu.memory_space<vmem>>)
        %ge3A_173 = arith.constant 2 : i32
        %ge3A_174 = arith.cmpi sge, %add3A_156, %ge3A_173 : i32
        %convert_element_type3A_175 = arith.extui %ge3A_174 : i1 to i32
        %cond3A_176 = arith.constant 0 : i32
        %cond3A_177 = arith.cmpi ne, %convert_element_type3A_175, %cond3A_176 : i32
        scf.if %cond3A_177 {
          %sub3A_196 = arith.constant 2 : i32
          %sub3A_197 = arith.subi %add3A_156, %sub3A_196 : i32
          %mul3A_198 = arith.constant 32 : i32
          %mul3A_199 = arith.muli %mul3A_198, %sub3A_197 : i32
          %add3A_200 = arith.addi %add3A, %mul3A_199 : i32
          %mul3A_201 = arith.constant 2560 : i32
          %mul3A_202 = arith.muli %add3A_200, %mul3A_201 : i32
          %dma_wait3A_203 = tpu.memref_slice %arg4[%mul3A_202] : memref<6400000xf32, #tpu.memory_space<hbm>> -> memref<2560xf32, #tpu.memory_space<hbm>>
          %dma_wait3A_204 = tpu.memref_slice %arg4[%mul3A_202] : memref<6400000xf32, #tpu.memory_space<hbm>> -> memref<2560xf32, #tpu.memory_space<hbm>>
          tpu.wait_dma2 semaphore(%arg13 : memref<!tpu.dma_semaphore, #tpu.memory_space<semaphore_mem>>) src(%arg9 : memref<2560xf32, #tpu.memory_space<vmem>>) dst(%dma_wait3A_204 : memref<2560xf32, #tpu.memory_space<hbm>>)
        } else {
        }
        %parallel_loop3A = arith.constant 0 : i32
        %parallel_loop3A_178 = arith.constant 2560 : i32
        %parallel_loop3A_179 = arith.constant 16 : i32
        scf.for %parallel_loop3A_196 = %parallel_loop3A to %parallel_loop3A_178 step %parallel_loop3A_179  : i32 {
          %parallel_loop3A_197 = arith.constant 0 : i32
          %parallel_loop3A_198 = arith.index_cast %parallel_loop3A_197 : i32 to index
          %parallel_loop3A_199 = arith.index_cast %parallel_loop3A_196 : i32 to index
          %parallel_loop3A_200 = tpu.vector_load %arg7[%parallel_loop3A_198, %parallel_loop3A_199] {strides = array<i32>} : memref<2x2560xi32, #tpu.memory_space<vmem>>, vector<16xi32>,
          %parallel_loop3A_201 = arith.constant 1 : i32
          %parallel_loop3A_202 = arith.index_cast %parallel_loop3A_201 : i32 to index
          %parallel_loop3A_203 = arith.index_cast %parallel_loop3A_196 : i32 to index
          %parallel_loop3A_204 = tpu.vector_load %arg7[%parallel_loop3A_202, %parallel_loop3A_203] {strides = array<i32>} : memref<2x2560xi32, #tpu.memory_space<vmem>>, vector<16xi32>,
          %parallel_loop3A_205 = tpu.vector_load_idx %arg5[%parallel_loop3A_200] : memref<100000xf32, #tpu.memory_space<vmem>>[vector<16xi32>], vector<16xf32>,
          %parallel_loop3A_206 = tpu.vector_load_idx %arg5[%parallel_loop3A_204] : memref<100000xf32, #tpu.memory_space<vmem>>[vector<16xi32>], vector<16xf32>,
          %parallel_loop3A_207 = arith.addf %parallel_loop3A_205, %parallel_loop3A_206 : vector<16xf32>
          %parallel_loop3A_208 = arith.index_cast %parallel_loop3A_196 : i32 to index
          %parallel_loop3A_209 = tpu.vector_load %arg9[%parallel_loop3A_208] {strides = array<i32>} : memref<2560xf32, #tpu.memory_space<vmem>>, vector<16xf32>,
          tpu.vector_store %arg9[%parallel_loop3A_208], %parallel_loop3A_207 {strides = array<i32>} : memref<2560xf32, #tpu.memory_space<vmem>>, vector<16xf32>,
        } {sc.loop_unroll_factor = 10 : i64, sc.parallel_access}
        %mul3A_180 = arith.constant 32 : i32
        %mul3A_181 = arith.muli %mul3A_180, %add3A_156 : i32
        %add3A_182 = arith.addi %add3A, %mul3A_181 : i32
        %mul3A_183 = arith.constant 2560 : i32
        %mul3A_184 = arith.muli %add3A_182, %mul3A_183 : i32
        %dma_start3A = tpu.memref_slice %arg4[%mul3A_184] : memref<6400000xf32, #tpu.memory_space<hbm>> -> memref<2560xf32, #tpu.memory_space<hbm>>
        %dma_start3A_185 = tpu.memref_slice %arg4[%mul3A_184] : memref<6400000xf32, #tpu.memory_space<hbm>> -> memref<2560xf32, #tpu.memory_space<hbm>>
        tpu.enqueue_dma source(%arg9 : memref<2560xf32, #tpu.memory_space<vmem>>) target(%dma_start3A_185 : memref<2560xf32, #tpu.memory_space<hbm>>) target_semaphore(%arg13 : memref<!tpu.dma_semaphore, #tpu.memory_space<semaphore_mem>>)
        %add3A_186 = arith.constant 2 : i32
        %add3A_187 = arith.addi %add3A_156, %add3A_186 : i32
        %mul3A_188 = arith.constant 32 : i32
        %mul3A_189 = arith.muli %mul3A_188, %add3A_187 : i32
        %add3A_190 = arith.addi %add3A, %mul3A_189 : i32
        %lt3A_191 = arith.constant 2500 : i32
        %lt3A_192 = arith.cmpi slt, %add3A_190, %lt3A_191 : i32
        %convert_element_type3A_193 = arith.extui %lt3A_192 : i1 to i32
        %cond3A_194 = arith.constant 0 : i32
        %cond3A_195 = arith.cmpi ne, %convert_element_type3A_193, %cond3A_194 : i32
        scf.if %cond3A_195 {
          %add3A_196 = arith.constant 2 : i32
          %add3A_197 = arith.addi %add3A_156, %add3A_196 : i32
          %mul3A_198 = arith.constant 32 : i32
          %mul3A_199 = arith.muli %mul3A_198, %add3A_197 : i32
          %add3A_200 = arith.addi %add3A, %mul3A_199 : i32
          %mul3A_201 = arith.constant 2560 : i32
          %mul3A_202 = arith.muli %add3A_200, %mul3A_201 : i32
          %dma_start3A_203 = arith.constant 0 : i32
          %dma_start3A_204 = tpu.memref_slice %arg2[%dma_start3A_203, %mul3A_202] : memref<2x6400000xi32, #tpu.memory_space<hbm>> -> memref<2x2560xi32, #tpu.memory_space<hbm>>
          %dma_start3A_205 = arith.constant 0 : i32
          %dma_start3A_206 = tpu.memref_slice %arg2[%dma_start3A_205, %mul3A_202] : memref<2x6400000xi32, #tpu.memory_space<hbm>> -> memref<2x2560xi32, #tpu.memory_space<hbm>>
          tpu.enqueue_dma source(%dma_start3A_206 : memref<2x2560xi32, #tpu.memory_space<hbm>>) target(%arg7 : memref<2x2560xi32, #tpu.memory_space<vmem>>) target_semaphore(%arg11 : memref<!tpu.dma_semaphore, #tpu.memory_space<semaphore_mem>>)
        } else {
        }
      } else {
      }
    }
    %scan3A_15 = arith.constant 40 : i32
    %sub3A = arith.constant 2500 : i32
    %sub3A_16 = arith.subi %sub3A, %add3A : i32
    %add3A_17 = arith.constant 32 : i32
    %add3A_18 = arith.addi %sub3A_16, %add3A_17 : i32
    %sub3A_19 = arith.constant 1 : i32
    %sub3A_20 = arith.subi %add3A_18, %sub3A_19 : i32
    %jit3A = arith.constant 32 : i32
    %div3A = arith.divsi %sub3A_20, %jit3A : i32
    %sign3A = arith.constant 0 : i32
    %sign3A_21 = arith.cmpi sgt, %sub3A_20, %sign3A : i32
    %sign3A_22 = arith.extui %sign3A_21 : i1 to i32
    %sign3A_23 = arith.constant 0 : i32
    %sign3A_24 = arith.cmpi slt, %sub3A_20, %sign3A_23 : i32
    %sign3A_25 = arith.extui %sign3A_24 : i1 to i32
    %sign3A_26 = arith.subi %sign3A_22, %sign3A_25 : i32
    %sign3A_27 = arith.constant 0 : i32
    %sign3A_28 = arith.cmpi sgt, %jit3A, %sign3A_27 : i32
    %sign3A_29 = arith.extui %sign3A_28 : i1 to i32
    %sign3A_30 = arith.constant 0 : i32
    %sign3A_31 = arith.cmpi slt, %jit3A, %sign3A_30 : i32
    %sign3A_32 = arith.extui %sign3A_31 : i1 to i32
    %sign3A_33 = arith.subi %sign3A_29, %sign3A_32 : i32
    %ne3A = arith.cmpi ne, %sign3A_26, %sign3A_33 : i32
    %rem3A = arith.remsi %sub3A_20, %jit3A : i32
    %ne3A_34 = arith.constant 0 : i32
    %ne3A_35 = arith.cmpi ne, %rem3A, %ne3A_34 : i32
    %and3A = arith.andi %ne3A, %ne3A_35 : i1
    %sub3A_36 = arith.constant 1 : i32
    %sub3A_37 = arith.subi %div3A, %sub3A_36 : i32
    %select_n3A = arith.select %and3A, %sub3A_37, %div3A : i32
    %sub3A_38 = arith.constant 1 : i32
    %sub3A_39 = arith.subi %select_n3A, %sub3A_38 : i32
    %sub3A_40 = arith.constant 2 : i32
    %sub3A_41 = arith.subi %select_n3A, %sub3A_40 : i32
    %ge3A = arith.constant 0 : i32
    %ge3A_42 = arith.cmpi sge, %sub3A_39, %ge3A : i32
    %jit3A_43 = arith.constant 2 : i32
    %eq3A = arith.constant 0 : i32
    %eq3A_44 = arith.cmpi eq, %jit3A_43, %eq3A : i32
    %jit3A_45 = arith.constant 1 : i32
    %select_n3A_46 = arith.select %eq3A_44, %jit3A_45, %jit3A_43 : i32
    %rem3A_47 = arith.remsi %sub3A_39, %select_n3A_46 : i32
    %ne3A_48 = arith.constant 0 : i32
    %ne3A_49 = arith.cmpi ne, %rem3A_47, %ne3A_48 : i32
    %lt3A_50 = arith.constant 0 : i32
    %lt3A_51 = arith.cmpi slt, %rem3A_47, %lt3A_50 : i32
    %lt3A_52 = arith.constant 0 : i32
    %lt3A_53 = arith.cmpi slt, %select_n3A_46, %lt3A_52 : i32
    %ne3A_54 = arith.xori %lt3A_51, %lt3A_53 : i1
    %and3A_55 = arith.andi %ne3A_54, %ne3A_49 : i1
    %add3A_56 = arith.addi %rem3A_47, %select_n3A_46 : i32
    %select_n3A_57 = arith.select %and3A_55, %add3A_56, %rem3A_47 : i32
    %eq3A_58 = arith.constant 0 : i32
    %eq3A_59 = arith.cmpi eq, %select_n3A_57, %eq3A_58 : i32
    %and3A_60 = arith.andi %ge3A_42, %eq3A_59 : i1
    %convert_element_type3A_61 = arith.extui %and3A_60 : i1 to i32
    %cond3A_62 = arith.constant 0 : i32
    %cond3A_63 = arith.cmpi ne, %convert_element_type3A_61, %cond3A_62 : i32
    scf.if %cond3A_63 {
      %mul3A_140 = arith.constant 32 : i32
      %mul3A_141 = arith.muli %mul3A_140, %sub3A_39 : i32
      %add3A_142 = arith.addi %add3A, %mul3A_141 : i32
      %mul3A_143 = arith.constant 2560 : i32
      %mul3A_144 = arith.muli %add3A_142, %mul3A_143 : i32
      %dma_wait3A = tpu.memref_slice %arg4[%mul3A_144] : memref<6400000xf32, #tpu.memory_space<hbm>> -> memref<2560xf32, #tpu.memory_space<hbm>>
      %dma_wait3A_145 = tpu.memref_slice %arg4[%mul3A_144] : memref<6400000xf32, #tpu.memory_space<hbm>> -> memref<2560xf32, #tpu.memory_space<hbm>>
      tpu.wait_dma2 semaphore(%arg12 : memref<!tpu.dma_semaphore, #tpu.memory_space<semaphore_mem>>) src(%arg8 : memref<2560xf32, #tpu.memory_space<vmem>>) dst(%dma_wait3A_145 : memref<2560xf32, #tpu.memory_space<hbm>>)
    } else {
    }
    %ge3A_64 = arith.constant 0 : i32
    %ge3A_65 = arith.cmpi sge, %sub3A_41, %ge3A_64 : i32
    %jit3A_66 = arith.constant 2 : i32
    %eq3A_67 = arith.constant 0 : i32
    %eq3A_68 = arith.cmpi eq, %jit3A_66, %eq3A_67 : i32
    %jit3A_69 = arith.constant 1 : i32
    %select_n3A_70 = arith.select %eq3A_68, %jit3A_69, %jit3A_66 : i32
    %rem3A_71 = arith.remsi %sub3A_41, %select_n3A_70 : i32
    %ne3A_72 = arith.constant 0 : i32
    %ne3A_73 = arith.cmpi ne, %rem3A_71, %ne3A_72 : i32
    %lt3A_74 = arith.constant 0 : i32
    %lt3A_75 = arith.cmpi slt, %rem3A_71, %lt3A_74 : i32
    %lt3A_76 = arith.constant 0 : i32
    %lt3A_77 = arith.cmpi slt, %select_n3A_70, %lt3A_76 : i32
    %ne3A_78 = arith.xori %lt3A_75, %lt3A_77 : i1
    %and3A_79 = arith.andi %ne3A_78, %ne3A_73 : i1
    %add3A_80 = arith.addi %rem3A_71, %select_n3A_70 : i32
    %select_n3A_81 = arith.select %and3A_79, %add3A_80, %rem3A_71 : i32
    %eq3A_82 = arith.constant 0 : i32
    %eq3A_83 = arith.cmpi eq, %select_n3A_81, %eq3A_82 : i32
    %and3A_84 = arith.andi %ge3A_65, %eq3A_83 : i1
    %convert_element_type3A_85 = arith.extui %and3A_84 : i1 to i32
    %cond3A_86 = arith.constant 0 : i32
    %cond3A_87 = arith.cmpi ne, %convert_element_type3A_85, %cond3A_86 : i32
    scf.if %cond3A_87 {
      %mul3A_140 = arith.constant 32 : i32
      %mul3A_141 = arith.muli %mul3A_140, %sub3A_41 : i32
      %add3A_142 = arith.addi %add3A, %mul3A_141 : i32
      %mul3A_143 = arith.constant 2560 : i32
      %mul3A_144 = arith.muli %add3A_142, %mul3A_143 : i32
      %dma_wait3A = tpu.memref_slice %arg4[%mul3A_144] : memref<6400000xf32, #tpu.memory_space<hbm>> -> memref<2560xf32, #tpu.memory_space<hbm>>
      %dma_wait3A_145 = tpu.memref_slice %arg4[%mul3A_144] : memref<6400000xf32, #tpu.memory_space<hbm>> -> memref<2560xf32, #tpu.memory_space<hbm>>
      tpu.wait_dma2 semaphore(%arg12 : memref<!tpu.dma_semaphore, #tpu.memory_space<semaphore_mem>>) src(%arg8 : memref<2560xf32, #tpu.memory_space<vmem>>) dst(%dma_wait3A_145 : memref<2560xf32, #tpu.memory_space<hbm>>)
    } else {
    }
    %sub3A_88 = arith.constant 1 : i32
    %sub3A_89 = arith.subi %select_n3A, %sub3A_88 : i32
    %sub3A_90 = arith.constant 2 : i32
    %sub3A_91 = arith.subi %select_n3A, %sub3A_90 : i32
    %ge3A_92 = arith.constant 0 : i32
    %ge3A_93 = arith.cmpi sge, %sub3A_89, %ge3A_92 : i32
    %jit3A_94 = arith.constant 2 : i32
    %eq3A_95 = arith.constant 0 : i32
    %eq3A_96 = arith.cmpi eq, %jit3A_94, %eq3A_95 : i32
    %jit3A_97 = arith.constant 1 : i32
    %select_n3A_98 = arith.select %eq3A_96, %jit3A_97, %jit3A_94 : i32
    %rem3A_99 = arith.remsi %sub3A_89, %select_n3A_98 : i32
    %ne3A_100 = arith.constant 0 : i32
    %ne3A_101 = arith.cmpi ne, %rem3A_99, %ne3A_100 : i32
    %lt3A_102 = arith.constant 0 : i32
    %lt3A_103 = arith.cmpi slt, %rem3A_99, %lt3A_102 : i32
    %lt3A_104 = arith.constant 0 : i32
    %lt3A_105 = arith.cmpi slt, %select_n3A_98, %lt3A_104 : i32
    %ne3A_106 = arith.xori %lt3A_103, %lt3A_105 : i1
    %and3A_107 = arith.andi %ne3A_106, %ne3A_101 : i1
    %add3A_108 = arith.addi %rem3A_99, %select_n3A_98 : i32
    %select_n3A_109 = arith.select %and3A_107, %add3A_108, %rem3A_99 : i32
    %eq3A_110 = arith.constant 1 : i32
    %eq3A_111 = arith.cmpi eq, %select_n3A_109, %eq3A_110 : i32
    %and3A_112 = arith.andi %ge3A_93, %eq3A_111 : i1
    %convert_element_type3A_113 = arith.extui %and3A_112 : i1 to i32
    %cond3A_114 = arith.constant 0 : i32
    %cond3A_115 = arith.cmpi ne, %convert_element_type3A_113, %cond3A_114 : i32
    scf.if %cond3A_115 {
      %mul3A_140 = arith.constant 32 : i32
      %mul3A_141 = arith.muli %mul3A_140, %sub3A_89 : i32
      %add3A_142 = arith.addi %add3A, %mul3A_141 : i32
      %mul3A_143 = arith.constant 2560 : i32
      %mul3A_144 = arith.muli %add3A_142, %mul3A_143 : i32
      %dma_wait3A = tpu.memref_slice %arg4[%mul3A_144] : memref<6400000xf32, #tpu.memory_space<hbm>> -> memref<2560xf32, #tpu.memory_space<hbm>>
      %dma_wait3A_145 = tpu.memref_slice %arg4[%mul3A_144] : memref<6400000xf32, #tpu.memory_space<hbm>> -> memref<2560xf32, #tpu.memory_space<hbm>>
      tpu.wait_dma2 semaphore(%arg13 : memref<!tpu.dma_semaphore, #tpu.memory_space<semaphore_mem>>) src(%arg9 : memref<2560xf32, #tpu.memory_space<vmem>>) dst(%dma_wait3A_145 : memref<2560xf32, #tpu.memory_space<hbm>>)
    } else {
    }
    %ge3A_116 = arith.constant 0 : i32
    %ge3A_117 = arith.cmpi sge, %sub3A_91, %ge3A_116 : i32
    %jit3A_118 = arith.constant 2 : i32
    %eq3A_119 = arith.constant 0 : i32
    %eq3A_120 = arith.cmpi eq, %jit3A_118, %eq3A_119 : i32
    %jit3A_121 = arith.constant 1 : i32
    %select_n3A_122 = arith.select %eq3A_120, %jit3A_121, %jit3A_118 : i32
    %rem3A_123 = arith.remsi %sub3A_91, %select_n3A_122 : i32
    %ne3A_124 = arith.constant 0 : i32
    %ne3A_125 = arith.cmpi ne, %rem3A_123, %ne3A_124 : i32
    %lt3A_126 = arith.constant 0 : i32
    %lt3A_127 = arith.cmpi slt, %rem3A_123, %lt3A_126 : i32
    %lt3A_128 = arith.constant 0 : i32
    %lt3A_129 = arith.cmpi slt, %select_n3A_122, %lt3A_128 : i32
    %ne3A_130 = arith.xori %lt3A_127, %lt3A_129 : i1
    %and3A_131 = arith.andi %ne3A_130, %ne3A_125 : i1
    %add3A_132 = arith.addi %rem3A_123, %select_n3A_122 : i32
    %select_n3A_133 = arith.select %and3A_131, %add3A_132, %rem3A_123 : i32
    %eq3A_134 = arith.constant 1 : i32
    %eq3A_135 = arith.cmpi eq, %select_n3A_133, %eq3A_134 : i32
    %and3A_136 = arith.andi %ge3A_117, %eq3A_135 : i1
    %convert_element_type3A_137 = arith.extui %and3A_136 : i1 to i32
    %cond3A_138 = arith.constant 0 : i32
    %cond3A_139 = arith.cmpi ne, %convert_element_type3A_137, %cond3A_138 : i32
    scf.if %cond3A_139 {
      %mul3A_140 = arith.constant 32 : i32
      %mul3A_141 = arith.muli %mul3A_140, %sub3A_91 : i32
      %add3A_142 = arith.addi %add3A, %mul3A_141 : i32
      %mul3A_143 = arith.constant 2560 : i32
      %mul3A_144 = arith.muli %add3A_142, %mul3A_143 : i32
      %dma_wait3A = tpu.memref_slice %arg4[%mul3A_144] : memref<6400000xf32, #tpu.memory_space<hbm>> -> memref<2560xf32, #tpu.memory_space<hbm>>
      %dma_wait3A_145 = tpu.memref_slice %arg4[%mul3A_144] : memref<6400000xf32, #tpu.memory_space<hbm>> -> memref<2560xf32, #tpu.memory_space<hbm>>
      tpu.wait_dma2 semaphore(%arg13 : memref<!tpu.dma_semaphore, #tpu.memory_space<semaphore_mem>>) src(%arg9 : memref<2560xf32, #tpu.memory_space<vmem>>) dst(%dma_wait3A_145 : memref<2560xf32, #tpu.memory_space<hbm>>)
    } else {
    }
    return
  }
}

module attributes {stable_mosaic.version = 14 : i64} {
  func.func @_node_radii_body(%arg0: i32, %arg1: memref<10x80x128xf32, #tpu.memory_space<vmem>>, %arg2: memref<10xf32, #tpu.memory_space<smem>>, %arg3: memref<80x128xf32, #tpu.memory_space<vmem>>) attributes {dimension_semantics = [#tpu.dimension_semantics<arbitrary>], iteration_bounds = array<i64: 10>, scalar_prefetch = 0 : i64, scratch_operands = 0 : i64, tpu.core_type = #tpu.core_type<tc>, window_params = [{transform_indices = @transform_0, window_bounds = array<i64: 10, 80, 128>}, {transform_indices = @transform_1, window_bounds = array<i64: 10>}, {transform_indices = @transform_2, window_bounds = array<i64: 80, 128>}]} {
    %get3A = arith.constant 0 : index
    %get3A_0 = arith.constant 0 : index
    %get3A_1 = arith.constant 0 : index
    %get3A_2 = vector.load %arg1[%get3A, %get3A_0, %get3A_1] : memref<10x80x128xf32, #tpu.memory_space<vmem>>, vector<1x80x128xf32>
    %get3A_3 = vector.shape_cast %get3A_2 : vector<1x80x128xf32> to vector<80x128xf32>
    %get3A_4 = arith.constant 0 : index
    %get3A_5 = memref.load %arg2[%get3A_4] : memref<10xf32, #tpu.memory_space<smem>>
    %broadcast_in_dim3A = vector.broadcast %get3A_5 : f32 to vector<80x128xf32>
    %get3A_6 = arith.constant 1 : index
    %get3A_7 = arith.constant 0 : index
    %get3A_8 = arith.constant 0 : index
    %get3A_9 = vector.load %arg1[%get3A_6, %get3A_7, %get3A_8] : memref<10x80x128xf32, #tpu.memory_space<vmem>>, vector<1x80x128xf32>
    %get3A_10 = vector.shape_cast %get3A_9 : vector<1x80x128xf32> to vector<80x128xf32>
    %gt3A = arith.cmpf ogt, %get3A_10, %get3A_3 : vector<80x128xf32>
    %select_n3A = arith.select %gt3A, %get3A_10, %get3A_3 : vector<80x128xi1>, vector<80x128xf32>
    %get3A_11 = arith.constant 1 : index
    %get3A_12 = memref.load %arg2[%get3A_11] : memref<10xf32, #tpu.memory_space<smem>>
    %broadcast_in_dim3A_13 = vector.broadcast %get3A_12 : f32 to vector<80x128xf32>
    %select_n3A_14 = arith.select %gt3A, %broadcast_in_dim3A_13, %broadcast_in_dim3A : vector<80x128xi1>, vector<80x128xf32>
    %get3A_15 = arith.constant 2 : index
    %get3A_16 = arith.constant 0 : index
    %get3A_17 = arith.constant 0 : index
    %get3A_18 = vector.load %arg1[%get3A_15, %get3A_16, %get3A_17] : memref<10x80x128xf32, #tpu.memory_space<vmem>>, vector<1x80x128xf32>
    %get3A_19 = vector.shape_cast %get3A_18 : vector<1x80x128xf32> to vector<80x128xf32>
    %gt3A_20 = arith.cmpf ogt, %get3A_19, %select_n3A : vector<80x128xf32>
    %select_n3A_21 = arith.select %gt3A_20, %get3A_19, %select_n3A : vector<80x128xi1>, vector<80x128xf32>
    %get3A_22 = arith.constant 2 : index
    %get3A_23 = memref.load %arg2[%get3A_22] : memref<10xf32, #tpu.memory_space<smem>>
    %broadcast_in_dim3A_24 = vector.broadcast %get3A_23 : f32 to vector<80x128xf32>
    %select_n3A_25 = arith.select %gt3A_20, %broadcast_in_dim3A_24, %select_n3A_14 : vector<80x128xi1>, vector<80x128xf32>
    %get3A_26 = arith.constant 3 : index
    %get3A_27 = arith.constant 0 : index
    %get3A_28 = arith.constant 0 : index
    %get3A_29 = vector.load %arg1[%get3A_26, %get3A_27, %get3A_28] : memref<10x80x128xf32, #tpu.memory_space<vmem>>, vector<1x80x128xf32>
    %get3A_30 = vector.shape_cast %get3A_29 : vector<1x80x128xf32> to vector<80x128xf32>
    %gt3A_31 = arith.cmpf ogt, %get3A_30, %select_n3A_21 : vector<80x128xf32>
    %select_n3A_32 = arith.select %gt3A_31, %get3A_30, %select_n3A_21 : vector<80x128xi1>, vector<80x128xf32>
    %get3A_33 = arith.constant 3 : index
    %get3A_34 = memref.load %arg2[%get3A_33] : memref<10xf32, #tpu.memory_space<smem>>
    %broadcast_in_dim3A_35 = vector.broadcast %get3A_34 : f32 to vector<80x128xf32>
    %select_n3A_36 = arith.select %gt3A_31, %broadcast_in_dim3A_35, %select_n3A_25 : vector<80x128xi1>, vector<80x128xf32>
    %get3A_37 = arith.constant 4 : index
    %get3A_38 = arith.constant 0 : index
    %get3A_39 = arith.constant 0 : index
    %get3A_40 = vector.load %arg1[%get3A_37, %get3A_38, %get3A_39] : memref<10x80x128xf32, #tpu.memory_space<vmem>>, vector<1x80x128xf32>
    %get3A_41 = vector.shape_cast %get3A_40 : vector<1x80x128xf32> to vector<80x128xf32>
    %gt3A_42 = arith.cmpf ogt, %get3A_41, %select_n3A_32 : vector<80x128xf32>
    %select_n3A_43 = arith.select %gt3A_42, %get3A_41, %select_n3A_32 : vector<80x128xi1>, vector<80x128xf32>
    %get3A_44 = arith.constant 4 : index
    %get3A_45 = memref.load %arg2[%get3A_44] : memref<10xf32, #tpu.memory_space<smem>>
    %broadcast_in_dim3A_46 = vector.broadcast %get3A_45 : f32 to vector<80x128xf32>
    %select_n3A_47 = arith.select %gt3A_42, %broadcast_in_dim3A_46, %select_n3A_36 : vector<80x128xi1>, vector<80x128xf32>
    %get3A_48 = arith.constant 5 : index
    %get3A_49 = arith.constant 0 : index
    %get3A_50 = arith.constant 0 : index
    %get3A_51 = vector.load %arg1[%get3A_48, %get3A_49, %get3A_50] : memref<10x80x128xf32, #tpu.memory_space<vmem>>, vector<1x80x128xf32>
    %get3A_52 = vector.shape_cast %get3A_51 : vector<1x80x128xf32> to vector<80x128xf32>
    %gt3A_53 = arith.cmpf ogt, %get3A_52, %select_n3A_43 : vector<80x128xf32>
    %select_n3A_54 = arith.select %gt3A_53, %get3A_52, %select_n3A_43 : vector<80x128xi1>, vector<80x128xf32>
    %get3A_55 = arith.constant 5 : index
    %get3A_56 = memref.load %arg2[%get3A_55] : memref<10xf32, #tpu.memory_space<smem>>
    %broadcast_in_dim3A_57 = vector.broadcast %get3A_56 : f32 to vector<80x128xf32>
    %select_n3A_58 = arith.select %gt3A_53, %broadcast_in_dim3A_57, %select_n3A_47 : vector<80x128xi1>, vector<80x128xf32>
    %get3A_59 = arith.constant 6 : index
    %get3A_60 = arith.constant 0 : index
    %get3A_61 = arith.constant 0 : index
    %get3A_62 = vector.load %arg1[%get3A_59, %get3A_60, %get3A_61] : memref<10x80x128xf32, #tpu.memory_space<vmem>>, vector<1x80x128xf32>
    %get3A_63 = vector.shape_cast %get3A_62 : vector<1x80x128xf32> to vector<80x128xf32>
    %gt3A_64 = arith.cmpf ogt, %get3A_63, %select_n3A_54 : vector<80x128xf32>
    %select_n3A_65 = arith.select %gt3A_64, %get3A_63, %select_n3A_54 : vector<80x128xi1>, vector<80x128xf32>
    %get3A_66 = arith.constant 6 : index
    %get3A_67 = memref.load %arg2[%get3A_66] : memref<10xf32, #tpu.memory_space<smem>>
    %broadcast_in_dim3A_68 = vector.broadcast %get3A_67 : f32 to vector<80x128xf32>
    %select_n3A_69 = arith.select %gt3A_64, %broadcast_in_dim3A_68, %select_n3A_58 : vector<80x128xi1>, vector<80x128xf32>
    %get3A_70 = arith.constant 7 : index
    %get3A_71 = arith.constant 0 : index
    %get3A_72 = arith.constant 0 : index
    %get3A_73 = vector.load %arg1[%get3A_70, %get3A_71, %get3A_72] : memref<10x80x128xf32, #tpu.memory_space<vmem>>, vector<1x80x128xf32>
    %get3A_74 = vector.shape_cast %get3A_73 : vector<1x80x128xf32> to vector<80x128xf32>
    %gt3A_75 = arith.cmpf ogt, %get3A_74, %select_n3A_65 : vector<80x128xf32>
    %select_n3A_76 = arith.select %gt3A_75, %get3A_74, %select_n3A_65 : vector<80x128xi1>, vector<80x128xf32>
    %get3A_77 = arith.constant 7 : index
    %get3A_78 = memref.load %arg2[%get3A_77] : memref<10xf32, #tpu.memory_space<smem>>
    %broadcast_in_dim3A_79 = vector.broadcast %get3A_78 : f32 to vector<80x128xf32>
    %select_n3A_80 = arith.select %gt3A_75, %broadcast_in_dim3A_79, %select_n3A_69 : vector<80x128xi1>, vector<80x128xf32>
    %get3A_81 = arith.constant 8 : index
    %get3A_82 = arith.constant 0 : index
    %get3A_83 = arith.constant 0 : index
    %get3A_84 = vector.load %arg1[%get3A_81, %get3A_82, %get3A_83] : memref<10x80x128xf32, #tpu.memory_space<vmem>>, vector<1x80x128xf32>
    %get3A_85 = vector.shape_cast %get3A_84 : vector<1x80x128xf32> to vector<80x128xf32>
    %gt3A_86 = arith.cmpf ogt, %get3A_85, %select_n3A_76 : vector<80x128xf32>
    %select_n3A_87 = arith.select %gt3A_86, %get3A_85, %select_n3A_76 : vector<80x128xi1>, vector<80x128xf32>
    %get3A_88 = arith.constant 8 : index
    %get3A_89 = memref.load %arg2[%get3A_88] : memref<10xf32, #tpu.memory_space<smem>>
    %broadcast_in_dim3A_90 = vector.broadcast %get3A_89 : f32 to vector<80x128xf32>
    %select_n3A_91 = arith.select %gt3A_86, %broadcast_in_dim3A_90, %select_n3A_80 : vector<80x128xi1>, vector<80x128xf32>
    %get3A_92 = arith.constant 9 : index
    %get3A_93 = arith.constant 0 : index
    %get3A_94 = arith.constant 0 : index
    %get3A_95 = vector.load %arg1[%get3A_92, %get3A_93, %get3A_94] : memref<10x80x128xf32, #tpu.memory_space<vmem>>, vector<1x80x128xf32>
    %get3A_96 = vector.shape_cast %get3A_95 : vector<1x80x128xf32> to vector<80x128xf32>
    %gt3A_97 = arith.cmpf ogt, %get3A_96, %select_n3A_87 : vector<80x128xf32>
    %get3A_98 = arith.constant 9 : index
    %get3A_99 = memref.load %arg2[%get3A_98] : memref<10xf32, #tpu.memory_space<smem>>
    %broadcast_in_dim3A_100 = vector.broadcast %get3A_99 : f32 to vector<80x128xf32>
    %select_n3A_101 = arith.select %gt3A_97, %broadcast_in_dim3A_100, %select_n3A_91 : vector<80x128xi1>, vector<80x128xf32>
    %swap3A = arith.constant 0 : index
    %swap3A_102 = arith.constant 0 : index
    %swap3A_103 = vector.load %arg3[%swap3A, %swap3A_102] : memref<80x128xf32, #tpu.memory_space<vmem>>, vector<80x128xf32>
    tpu.vector_store %arg3[%swap3A, %swap3A_102], %select_n3A_101 {strides = array<i32>} : memref<80x128xf32, #tpu.memory_space<vmem>>, vector<80x128xf32>,
    return
  }
  func.func @transform_0(%arg0: i32) -> (i32, i32, i32) {
    %c0_i32 = arith.constant 0 : i32
    %c0_i32_0 = arith.constant 0 : i32
    %c0_i32_1 = arith.constant 0 : i32
    return %c0_i32, %arg0, %c0_i32_0 : i32, i32, i32
  }
  func.func @transform_1(%arg0: i32) -> i32 {
    %c0_i32 = arith.constant 0 : i32
    %c0_i32_0 = arith.constant 0 : i32
    return %c0_i32 : i32
  }
  func.func @transform_2(%arg0: i32) -> (i32, i32) {
    %c0_i32 = arith.constant 0 : i32
    %c0_i32_0 = arith.constant 0 : i32
    return %arg0, %c0_i32 : i32, i32
  }
}

module attributes {stable_mosaic.version = 14 : i64} {
  func.func @_agnesi_body(%arg0: i32, %arg1: memref<128000xf32, #tpu.memory_space<vmem>>, %arg2: memref<128000xf32, #tpu.memory_space<vmem>>, %arg3: memref<128000xf32, #tpu.memory_space<vmem>>) attributes {dimension_semantics = [#tpu.dimension_semantics<arbitrary>], iteration_bounds = array<i64: 50>, scalar_prefetch = 0 : i64, scratch_operands = 0 : i64, tpu.core_type = #tpu.core_type<tc>, window_params = [{transform_indices = @transform_0, window_bounds = array<i64: 128000>}, {transform_indices = @transform_1, window_bounds = array<i64: 128000>}, {transform_indices = @transform_2, window_bounds = array<i64: 128000>}]} {
    %get3A = arith.constant 0 : index
    %get3A_0 = vector.load %arg1[%get3A] : memref<128000xf32, #tpu.memory_space<vmem>>, vector<128000xf32>
    %get3A_1 = arith.constant 0 : index
    %get3A_2 = vector.load %arg2[%get3A_1] : memref<128000xf32, #tpu.memory_space<vmem>>, vector<128000xf32>
    %div3A = arith.divf %get3A_0, %get3A_2 : vector<128000xf32>
    %log3A = math.log %div3A : vector<128000xf32>
    %mul3A = arith.constant 0.918299973 : f32
    %mul3A_3 = vector.broadcast %mul3A : f32 to vector<128000xf32>
    %mul3A_4 = arith.mulf %mul3A_3, %log3A : vector<128000xf32>
    %exp3A = math.exp %mul3A_4 : vector<128000xf32>
    %mul3A_5 = arith.constant -3.660800e+00 : f32
    %mul3A_6 = vector.broadcast %mul3A_5 : f32 to vector<128000xf32>
    %mul3A_7 = arith.mulf %mul3A_6, %log3A : vector<128000xf32>
    %exp3A_8 = math.exp %mul3A_7 : vector<128000xf32>
    %add3A = arith.constant 1.000000e+00 : f32
    %add3A_9 = vector.broadcast %add3A : f32 to vector<128000xf32>
    %add3A_10 = arith.addf %add3A_9, %exp3A_8 : vector<128000xf32>
    %add3A_11 = arith.constant 1.000000e+00 : f32
    %add3A_12 = vector.broadcast %add3A_11 : f32 to vector<128000xf32>
    %add3A_13 = arith.addf %add3A_12, %exp3A_8 : vector<128000xf32>
    %mul3A_14 = arith.constant 1.080500e+00 : f32
    %mul3A_15 = vector.broadcast %mul3A_14 : f32 to vector<128000xf32>
    %mul3A_16 = arith.mulf %mul3A_15, %exp3A : vector<128000xf32>
    %add3A_17 = arith.addf %add3A_13, %mul3A_16 : vector<128000xf32>
    %div3A_18 = arith.divf %add3A_10, %add3A_17 : vector<128000xf32>
    %swap3A = arith.constant 0 : index
    %swap3A_19 = vector.load %arg3[%swap3A] : memref<128000xf32, #tpu.memory_space<vmem>>, vector<128000xf32>
    tpu.vector_store %arg3[%swap3A], %div3A_18 {strides = array<i32>} : memref<128000xf32, #tpu.memory_space<vmem>>, vector<128000xf32>,
    return
  }
  func.func @transform_0(%arg0: i32) -> i32 {
    %c0_i32 = arith.constant 0 : i32
    return %arg0 : i32
  }
  func.func @transform_1(%arg0: i32) -> i32 {
    %c0_i32 = arith.constant 0 : i32
    return %arg0 : i32
  }
  func.func @transform_2(%arg0: i32) -> i32 {
    %c0_i32 = arith.constant 0 : i32
    return %arg0 : i32
  }
}

</mosaic_0001>

<sc_bundles>
// kernel: kernel.5.cloned.1.call-start
scs
__scs_entry_jumppad:
0x0: {  	(pc) =	sbr.rel $0x88, $3  }
0x1: {  	(tag) =	ssettag $0x0;
	lr =	simm.s32 $0x1  }
0x2: {  	[smem:$0x3F9C] =	sst lr;
	_ =	strace $0xD0000000  }
0x3: {  	_ = 	snop  }
0x4: {  	_ = 	snop  }
0x5: {  	_ = 	snop  }
0x6: {  	_ = 	snop  }
0x7: {  	_ = 	snop  }
__scs_overlays_trampoline_lowered:
0x8: {  	[smem:$0x3FAB] =	sst s0  }
0x9: {  	[smem:$0x3FAC] =	sst s1  }
0xa: {  	[smem:$0x3FAD] =	sst s2  }
0xb: {  	[smem:$0x3FAE] =	sst s3  }
0xc: {  	[smem:$0x3FAF] =	sst s4  }
0xd: {  	[smem:$0x3FB0] =	sst s5  }
0xe: {  	[smem:$0x3FB1] =	sst s6  }
0xf: {  	[smem:$0x3FB2] =	sst s7  }
0x10: {  	[smem:$0x3FB3] =	sst s8  }
0x11: {  	[smem:$0x3FB4] =	sst s9;
	s0 =	simm.s32 @!p0 $0x0  }
0x12: {  	s1 =	sld [smem:$0x3F9A];
	s0 =	simm.s32 @p0 $0x1  }
0x13: {  	[smem:$0x3FB5] =	sst s0;
	s0 =	simm.s32 @!p1 $0x0  }
0x14: {  	s2 =	sld [smem:$0x3F99];
	s0 =	simm.s32 @p1 $0x1  }
0x15: {  	[smem:$0x3FB6] =	sst s0;
	s0 =	simm.s32 @!p2 $0x0  }
0x16: {  	s3 =	sld [smem:$0x3FDB];
	s0 =	simm.s32 @p2 $0x1  }
0x17: {  	s4 =	simm.s32 $0x1BF5;
	[smem:$0x3FB8] =	sst s0  }
0x18: {  	s0 =	sld [smem:$0x3F9B];
	_ =	swait.ge [sflag:s4], $0x0  }
0x19: {  	s7 =	sld [smem:$0x3F9C]  }
0x1a: {  	s8 =	sadd.s32 $0xFFFFE003, lr  }
0x1b: {  	s9 =	sadd.s32 $0xFFFFFEF7, lr;
	s5 =	simm.s32 $0xFFFFFFFF;
	p2 =	slt.u32 s8, $0xFFFFF086  }
0x1c: {  	p1 =	slt.u32 s9, $0xF7A;
	s5 =	simm.s32 @!p2 $0x0  }
0x1d: {  	s5 =	simm.s32 @p1 $0x1;
	p0 =	seq.s32 s7, s2  }
0x1e: {  	s7 =	smul.u32 @!p0 $0xF7A, s2;
	p2 =	seq.s32 @!p0 s5, $0x0  }
0x1f: {  	s9 =	smul.u32 $0xF7A, s1;
	s8 =	simm.s32 @!p0 $0x1BF5;
	p2 =	por !p2, p0  }
0x20: {  	[sflag:s8] =	ssyncset.s32 @!p0 $0xFFFFF086;
	s6 =	sadd.s32 @!p0 s3, s7;
	s7 =	simm.s32 @!p0 $0x108  }
0x21: {  	s3 =	sadd.s32 s3, s9;
	s6 =	sadd.s32 @!p0 $0x88, s6;
	s7 =	simm.s32 @p2 $0x1082  }
0x22: {  	[simem:s7], [sflag:s8] =	dma.local @!p0 [hbm:s6], $0xF7A  }
0x23: {  	s9 =	sor.u32 $0xD0000000, s2;
	s6 =	simm.s32 $0x108;
	_ =	swait.ge @!p0 [sflag:s8], $0x0  }
0x24: {  	s3 =	sadd.s32 $0x88, s3;
	s6 =	simm.s32 @!p1 $0x1082;
	[sflag:s4] =	ssyncset.s32 $0xFFFFF086  }
0x25: {  	[simem:s6], [sflag:s4] =	dma.local [hbm:s3], $0xF7A  }
0x26: {  	[smem:$0x3F9C] =	sst s1;
	(tag) =	ssettag s2;
	_ =	strace s9  }
0x27: {  	s1 =	sld [smem:$0x3FAC]  }
0x28: {  	s2 =	sld [smem:$0x3FAD]  }
0x29: {  	s4 =	sld [smem:$0x3FAF]  }
0x2a: {  	p0 =	seq.s32 s5, $0x0;
	s5 =	sld [smem:$0x3FB0]  }
0x2b: {  	s6 =	sld [smem:$0x3FB1]  }
0x2c: {  	s7 =	sld [smem:$0x3FB2]  }
0x2d: {  	s3 =	simm.s32 $0x108;
	s8 =	sld [smem:$0x3FB3]  }
0x2e: {  	s3 =	simm.s32 @!p0 $0x1082;
	s9 =	sld [smem:$0x3FB4]  }
0x2f: {  	lr =	sadd.s32 s0, s3;
	s0 =	sld [smem:$0x3FAB]  }
0x30: {  	s3 =	sld [smem:$0x3FAE]  }
0x31: {  	[smem:$0x3FB7] =	sst s10  }
0x32: {  	s10 =	sld [smem:$0x3FB5];
	_ =	sdelay $0x3  }
0x33: {  	p0 =	seq.s32 s10, $0x1;
	s10 =	sld [smem:$0x3FB7];
	_ =	sdelay $0x3  }
0x34: {  	[smem:$0x3FB7] =	sst s10  }
0x35: {  	s10 =	sld [smem:$0x3FB6];
	_ =	sdelay $0x3  }
0x36: {  	p1 =	seq.s32 s10, $0x1;
	s10 =	sld [smem:$0x3FB7];
	_ =	sdelay $0x3  }
0x37: {  	[smem:$0x3FB7] =	sst s10  }
0x38: {  	s10 =	sld [smem:$0x3FB8]  }
0x39: {  	_ = 	snop;
	(pc) =	sbr.ind lr, $3  }
0x3a: {  	_ = 	snop  }
0x3b: {  	_ = 	snop  }
0x3c: {  	p2 =	seq.s32 s10, $0x1;
	s10 =	sld [smem:$0x3FB7]  }
0x3d: {  	_ =	shalt  }
0x3e: {  	_ =	shalt  }
0x3f: {  	_ =	shalt  }
0x40: {  	_ =	shalt  }
0x41: {  	_ =	shalt  }
0x42: {  	_ =	shalt  }
0x43: {  	_ =	shalt  }
0x44: {  	_ =	shalt  }
0x45: {  	_ =	shalt  }
0x46: {  	_ =	shalt  }
0x47: {  	_ =	shalt  }
0x48: {  	_ =	shalt  }
0x49: {  	_ =	shalt  }
0x4a: {  	_ =	shalt  }
0x4b: {  	_ =	shalt  }
0x4c: {  	_ =	shalt  }
0x4d: {  	_ =	shalt  }
0x4e: {  	_ =	shalt  }
0x4f: {  	_ =	shalt  }
0x50: {  	_ =	shalt  }
0x51: {  	_ =	shalt  }
0x52: {  	_ =	shalt  }
0x53: {  	_ =	shalt  }
0x54: {  	_ =	shalt  }
0x55: {  	_ =	shalt  }
0x56: {  	_ =	shalt  }
0x57: {  	_ =	shalt  }
0x58: {  	_ =	shalt  }
0x59: {  	_ =	shalt  }
0x5a: {  	_ =	shalt  }
0x5b: {  	_ =	shalt  }
0x5c: {  	_ =	shalt  }
0x5d: {  	_ =	shalt  }
0x5e: {  	_ =	shalt  }
0x5f: {  	_ =	shalt  }
0x60: {  	_ =	shalt  }
0x61: {  	_ =	shalt  }
0x62: {  	_ =	shalt  }
0x63: {  	_ =	shalt  }
0x64: {  	_ =	shalt  }
0x65: {  	_ =	shalt  }
0x66: {  	_ =	shalt  }
0x67: {  	_ =	shalt  }
0x68: {  	_ =	shalt  }
0x69: {  	_ =	shalt  }
0x6a: {  	_ =	shalt  }
0x6b: {  	_ =	shalt  }
0x6c: {  	_ =	shalt  }
0x6d: {  	_ =	shalt  }
0x6e: {  	_ =	shalt  }
0x6f: {  	_ =	shalt  }
0x70: {  	_ =	shalt  }
0x71: {  	_ =	shalt  }
0x72: {  	_ =	shalt  }
0x73: {  	_ =	shalt  }
0x74: {  	_ =	shalt  }
0x75: {  	_ =	shalt  }
0x76: {  	_ =	shalt  }
0x77: {  	_ =	shalt  }
0x78: {  	_ =	shalt  }
0x79: {  	_ =	shalt  }
0x7a: {  	_ =	shalt  }
0x7b: {  	_ =	shalt  }
0x7c: {  	_ =	shalt  }
0x7d: {  	_ =	shalt  }
0x7e: {  	_ =	shalt  }
0x7f: {  	_ =	shalt  }
0x80: {  	_ =	shalt  }
0x81: {  	_ =	shalt  }
0x82: {  	_ =	shalt  }
0x83: {  	_ =	shalt  }
0x84: {  	_ =	shalt  }
0x85: {  	_ =	shalt  }
0x86: {  	_ =	shalt  }
0x87: {  	_ =	shalt  }
.Lfunc_end0:
.L_simem_size_0:
called_computation_lowered:
.L_overlay_start_0:
0x88: {  	s2 =	sld [smem:$0x3FD9]  }
0x89: {  	s3 =	sld [smem:$0x3FFE];
	_ =	sdelay $0x1  }
0x8a: {  	s1 =	srdreg.scid  }
0x8b: {  	s0 =	sand.u32 $0x1, s1  }
0x8c: {  	s17 =	sshll.u32 s0, $0xA;
	s2 =	sadd.s32 s3, s2  }
0x8d: {  	s2 =	sadd.s32 s2, s17  }
0x8e: {  	[smem:$0x3FC3] =	sst s2  }
0x8f: {  	_ = 	snop  }
0x90: {  	s2 =	sld [smem:$0x3FC7]  }
0x91: {  	s18 =	sld [smem:$0x3FD0];
	(tm) =	ssettm $0x1  }
0x92: {  	s4 =	sld [smem:$0x3FFB];
	_ =	sdelay $0x3  }
0x93: {  	_ =	strace s4  }
0x94: {  	s4 =	sld [smem:$0x3FFC];
	_ =	sdelay $0x3  }
0x95: {  	_ =	strace s4  }
0x96: {  	s4 =	sld [smem:$0x3FFD];
	_ =	sdelay $0x3  }
0x97: {  	_ =	strace s4  }
0x98: {  	_ =	strace $0x8FFFFFFF  }
0x99: {  	s19 =	sld [smem:$0x3FDB];
	_ =	sdelay $0x1  }
0x9a: {  	s5 =	simm.s32 $_scs_section_size  }
0x9b: {  	s6 =	simm.s32 $_size__tile_overlayer_lowered;
	s7 =	simm.s32 $_tile_overlayer_lowered  }
0x9c: {  	s22 =	simm.s32 $0x1BFF;
	s21 =	sshll.u32 s7, $0x1;
	s4 =	sadd.s32 s5, s19  }
0x9d: {  	s8 =	simm.s32 $0x0;
	s20 =	sshll.u32 s6, $0x1;
	s6 =	sadd.s32 s21, s4  }
0x9e: {  	[timem:s8], [sflag:s22] =	dma.local [hbm:s6], s20  }
0x9f: {  	_ =	swait.ge [sflag:s22], s20  }
0xa0: {  	s5 =	ssub.s32 $0x0, s20;
	[sflag:s22] =	ssyncset.done $0x0  }
0xa1: {  	[sflag:s22] =	ssyncadd.s32 s5;
	_ =	sdelay $0x1  }
0xa2: {  	s23 =	simm.s32 $0x1B8B  }
0xa3: {  	_ =	swait.ge [sflag:s23], $0x1  }
0xa4: {  	[sflag:s23] =	ssyncset.done $0x0  }
0xa5: {  	s25 =	simm.s32 $0x1B8E;
	s24 =	sld [smem:$0x3FFE];
	[sflag:s23] =	ssyncadd.s32 $0xFFFFFFFF  }
0xa6: {  	s26 =	simm.s32 $execute0_lowered;
	[smem:$0x3FD2] =	sst s25  }
0xa7: {  	s6 =	sshll.u32 s26, $0x1;
	_ =	strace $0x80000046;
	[dreg:$0x1] =	wrdreg $0xFFFFFFFF  }
0xa8: {  	s28 =	simm.s32 $_size_execute0_lowered;
	s4 =	sadd.s32 s4, s6;
	[dreg:$0x0] =	wrdreg $0x0  }
0xa9: {  	s6 =	sshll.u32 s28, $0x1;
	[dreg:$0x2] =	wrdreg s4  }
0xaa: {  	[dreg:$0x3] =	wrdreg s6  }
0xab: {  	[dreg:$0x4] =	wrdreg $0xC0  }
0xac: {  	_ =	task [dreg:s8], $0x5FFFF  }
0xad: {  	[dreg:$0x1] =	wrdreg $0xFFFFFFFF  }
0xae: {  	[dreg:$0x0] =	wrdreg $0x60  }
0xaf: {  	[dreg:$0x2] =	wrdreg s2  }
0xb0: {  	[dreg:$0x3] =	wrdreg s18  }
0xb1: {  	[dreg:$0x4] =	wrdreg s24  }
0xb2: {  	[dreg:$0x5] =	wrdreg $0x9  }
0xb3: {  	_ =	task.clear_ibuf [dreg:s8], $0x6FFFF;
	_ =	strace $0x90000046  }
0xb4: {  	s29 =	simm.s32 $0x9;
	_ =	strace $0x80000048  }
0xb5: {  	_ =	swait.ge [sflag:s29], $0x1  }
0xb6: {  	[sflag:s29] =	ssyncadd.s32 $0xFFFFFFFF  }
0xb7: {  	_ =	strace $0x90000048  }
0xb8: {  	_ =	sfence  }
0xb9: {  	s30 =	sld [smem:$0x0];
	_ =	sdelay $0x2  }
0xba: {  	s31 =	sshll.u32 s1, $0xD;
	s1 =	sshrl.u32 s1, $0x2  }
0xbb: {  	s3 =	sand.u32 $0x4000, s31;
	s1 =	sadd.s32 s1, s30  }
0xbc: {  	s0 =	sor.u32 s3, s0;
	s1 =	sshll.u32 s1, $0x11  }
0xbd: {  	s0 =	sor.u32 s1, s0  }
0xbe: {  	s0 =	sadd.s32 $0x8F2B, s0  }
0xbf: {  	[sflag:s0] =	ssyncadd.remote.s32 $0x1  }
0xc0: {  	_ =	sfence.sel $0xFFFF  }
0xc1: {  	[dreg:$0x0] =	wrdreg $0xFFFFFFFF;
	(pc) =	sbr.abs _section_cstart, $3  }
0xc2: {  	[dreg:$0x1] =	wrdreg $0xFFFFFFFF  }
0xc3: {  	_ =	task.clear_ibuf [dreg:s8], $0x2FFFF;
	_ =	strace $0x9FFFFFFF  }
0xc4: {  	(tm) =	ssettm $0x7FFFFFFF  }
0xc5: {  	_ =	shalt  }
tec
execute0_lowered:
.L_overlay_start_1:
0x0: {  	(tag) =	ssettag $0x1  }
0x1: {  	s9 =	rddreg [dreg:$0x0];
	s0 =	srdreg.scid  }
0x2: {  	s1 =	stileid.u32;
	s2 =	rddreg [dreg:$0x2];
	s4 =	simm.s32 $0x0  }
0x3: {  	s15 =	simm.s32 $0x1;
	s0 =	sand.u32 $0x1, s0;
	s3 =	sshll.u32 s1, $0x1  }
0x4: {  	[smem:$0x7FF] =	sst s4;
	s5 =	sor.u32 s0, s3;
	s0 =	ssub.s32 $0x2, s0  }
0x5: {  	_ =	strace $0x80000047;
	s3 =	smul.u32 $0x1400, s5;
	s7 =	sshrl.u32 s0, $0x1  }
0x6: {  	s8 =	smul.u32 $0x280, s5;
	s30 =	sor.u32 $0x40, s5;
	s31 =	sor.u32 $0x60, s5  }
.Ltmp0:
0x7: {  	s0 =	ssub.s32 s0, s7;
	[dreg:$0x6] =	wrdreg s30;
	(pc) =	sbr.rel .LBB2_1-.Ltmp0, $4  }
0x8: {  	[dreg:$0x7] =	wrdreg s31;
	s3 =	sshrl.u32 s3, $0x3;
	s28 =	sadd.s32 s9, s8  }
0x9: {  	s0 =	smax.u32 s0, $0x1;
	s26 =	sadd.s32 s9, s3;
	[dreg:$0x4] =	wrdreg s28  }
0xa: {  	s17 =	simm.s32 $0x2;
	[dreg:$0x8] =	wrdreg s0;
	s29 =	sadd.s32 $0x5000, s26  }
0xb: {  	s6 =	sadd.s32 $0x600, s2;
	s2 =	simm.s32 $0x0;
	[dreg:$0x5] =	wrdreg s29  }
.LBB2_11:
0xc: {  	s0 =	simm.s32 $0x3  }
0xd: {  	_ =	swait.ge [sflag:s0], $0xA00  }
0xe: {  	[sflag:s0] =	ssyncset.done $0x0  }
0xf: {  	s1 =	simm.s32 $0x4;
	[sflag:s0] =	ssyncadd.s32 $0xFFFFF600  }
0x10: {  	_ =	swait.ge [sflag:s1], $0xA00  }
0x11: {  	s2 =	rddreg [dreg:$0x9]  }
0x12: {  	s31 =	rddreg [dreg:$0x8];
	s2 =	sadd.s32 $0x1, s2  }
0x13: {  	p0 =	sne.s32 s2, s31  }
.Ltmp1:
0x14: {  	_ = 	snop;
	(pc) =	sbr.rel @!p0 .LBB2_12-.Ltmp1, $3  }
0x15: {  	_ =	sdelay $0x1  }
0x16: {  	[sflag:s1] =	ssyncset.done $0x0  }
0x17: {  	[sflag:s1] =	ssyncadd.s32 $0xFFFFF600  }
.LBB2_1:
0x18: {  	[dreg:$0x9] =	wrdreg s2  }
0x19: {  	s0 =	rddreg [dreg:$0x4];
	s1 =	simm.s32 $0x18700  }
0x1a: {  	[tilespmem:s1], [sflag:$0x1] =	stream.linear.gather [hbm4b:s0+s4], $0x1400, $0x38;
	[tilespmem:$0x1C300] =	vst v63  }
0x1b: {  	s28 =	rddreg [dreg:$0x5];
	s29 =	simm.s32 $0x19B00  }
0x1c: {  	[tilespmem:s29], [sflag:$0x2] =	stream.linear.gather [hbm4b:s28+s4], $0x1400, $0x38;
	[tilespmem:$0x1C300] =	vst v63  }
.Ltmp2:
0x1d: {  	s30 =	rddreg [dreg:$0x1];
	s31 =	simm.s32 $0x5;
	(pc) =	sbr.rel .LBB2_2-.Ltmp2, $4  }
0x1e: {  	[tilespmem:s4], [sflag:$0x5] =	stream.linear.gather [hbm4b:s30+s4], $0x186A0, $0x38;
	[tilespmem:$0x1C300] =	vst v63  }
0x1f: {  	_ =	swait.ge [sflag:s31], $0x186A0  }
0x20: {  	[sflag:s31] =	ssyncset.done $0x0  }
0x21: {  	s22 =	simm.s32 $0x0;
	[sflag:s31] =	ssyncadd.s32 $0xFFFE7960  }
.LBB2_10:
0x22: {  	s22 =	sadd.s32 $0x1, s22  }
0x23: {  	p0 =	sne.s32 s22, $0x28  }
.Ltmp3:
0x24: {  	_ = 	snop;
	(pc) =	sbr.rel @!p0 .LBB2_11-.Ltmp3, $1  }
0x25: {  	_ =	sdelay $0x3  }
.LBB2_2:
0x26: {  	s23 =	sshll.u32 s22, $0x6  }
0x27: {  	s24 =	sor.u32 s5, s23  }
0x28: {  	p1 =	sgt.u32 s24, $0x9C3  }
.Ltmp4:
0x29: {  	_ = 	snop;
	(pc) =	sbr.rel @p1 .LBB2_6-.Ltmp4, $2  }
0x2a: {  	_ =	sdelay $0x2  }
0x2b: {  	p0 =	seq.s32 s22, $0x0  }
0x2c: {  	_ =	swait.ge [sflag:s15], $0x1400;
	s0 =	simm.s32 @!p0 $0x3  }
0x2d: {  	s26 =	simm.s32 $0x120;
	s2 =	simm.s32 $0x90;
	[sflag:s15] =	ssyncset.done $0x0  }
0x2e: {  	s19 =	simm.s32 $0x20;
	s20 =	simm.s32 $0x30;
	[sflag:s15] =	ssyncadd.s32 $0xFFFFEC00  }
0x2f: {  	s21 =	simm.s32 $0x40;
	s7 =	simm.s32 $0x60;
	_ =	swait.ge @!p0 [sflag:s0], $0xA00  }
0x30: {  	s2 =	sand.u32 $0x70, s2;
	s3 =	sand.u32 $0x3F00, s26;
	[sflag:s0] =	ssyncset.done @!p0 $0x0  }
0x31: {  	s25 =	simm.s32 $0x0;
	s18 =	sor.u32 s2, s3;
	[sflag:s0] =	ssyncadd.s32 @!p0 $0xFFFFF600  }
0x32: {  	s3 =	sand.u32 $0x3F00, s21;
	s2 =	sadd.s32 $0x18700, s18;
	s0 =	sand.u32 $0x60, s19;
	v2 =	vld [tilespmem:s18+$0x18700]  }
0x33: {  	s7 =	sand.u32 $0x3F00, s7;
	v3 =	vld [tilespmem:s2+$0x80];
	s2 =	sand.u32 $0x70, s20;
	s0 =	sor.u32 s0, s3  }
0x34: {  	s28 =	simm.s32 $0x0;
	s3 =	sand.u32 $0x1F00, s25;
	s2 =	sor.u32 s2, s7;
	v0 =	vld [tilespmem:s0+$0x18700]  }
0x35: {  	s25 =	sand.u32 $0x60, s28;
	s3 =	sadd.s32 $0x18700, s3;
	s0 =	sadd.s32 $0x18700, s0;
	v1 =	vld [tilespmem:s2+$0x18700]  }
0x36: {  	s30 =	sor.u32 s25, s3;
	v20 =	vld [tilespmem:s0+$0x80]  }
0x37: {  	s1 =	simm.s32 $0x40;
	s29 =	sor.u32 $0x10, s25;
	v15 =	vld [tilespmem:s30+$0x0]  }
0x38: {  	s8 =	simm.s32 $0x50;
	s12 =	simm.s32 $0x60;
	s3 =	sor.u32 s29, s3;
	v17 =	vld [tilespmem:s30+$0x80]  }
0x39: {  	s13 =	simm.s32 $0x70;
	s31 =	simm.s32 $0x80;
	s11 =	simm.s32 $0xC0;
	v18 =	vld [tilespmem:s3+$0x0]  }
0x3a: {  	s31 =	sand.u32 $0x3F00, s31;
	s7 =	sand.u32 $0x60, s1;
	s2 =	sadd.s32 $0x18700, s2;
	v19 =	vld [tilespmem:s3+$0x80]  }
0x3b: {  	s12 =	sand.u32 $0x60, s12;
	s10 =	sand.u32 $0x3F00, s11;
	s7 =	sor.u32 s7, s31;
	v13 =	vld [tilespmem:s2+$0x80]  }
0x3c: {  	s14 =	simm.s32 $0xE0;
	s8 =	sand.u32 $0x70, s8;
	s0 =	sor.u32 s12, s10;
	v6 =	vld [tilespmem:s7+$0x18700]  }
0x3d: {  	s13 =	sand.u32 $0x70, s13;
	s16 =	sand.u32 $0x3F00, s14;
	s11 =	sadd.s32 $0x18700, s7;
	v4 =	vld [tilespmem:s0+$0x18700]  }
0x3e: {  	s30 =	simm.s32 $0xA0;
	s2 =	sor.u32 s13, s16;
	s12 =	sadd.s32 $0x18700, s0;
	v10 =	vld [tilespmem:s11+$0x80]  }
0x3f: {  	s19 =	simm.s32 $0x100;
	s9 =	sand.u32 $0x3F00, s30;
	s20 =	sadd.s32 $0x18700, s2;
	v12 =	vld [tilespmem:s12+$0x80]  }
0x40: {  	s19 =	sand.u32 $0x3F00, s19;
	s3 =	sor.u32 s8, s9;
	v9 =	vld [tilespmem:s20+$0x80]  }
0x41: {  	s8 =	sor.u32 s25, s19;
	s18 =	sadd.s32 $0x18700, s3;
	v5 =	vld [tilespmem:s3+$0x18700]  }
0x42: {  	s21 =	sadd.s32 $0x18700, s8;
	v11 =	vld [tilespmem:s18+$0x80]  }
0x43: {  	v8 =	vld [tilespmem:s21+$0x80]  }
0x44: {  	v7 =	vld.idx.msk [tilespmem:v2+s4+$0x0], $0xffff  }
0x45: {  	v14 =	vld.idx.msk [tilespmem:v3+s4+$0x0], $0xffff  }
0x46: {  	v3 =	vld [tilespmem:s2+$0x18700]  }
0x47: {  	v2 =	vld [tilespmem:s8+$0x18700]  }
0x48: {  	v16 =	vld.idx.msk [tilespmem:v15+s4+$0x0], $0xffff  }
0x49: {  	v17 =	vld.idx.msk [tilespmem:v17+s4+$0x0], $0xffff  }
0x4a: {  	v15 =	vld.idx.msk [tilespmem:v19+s4+$0x0], $0xffff;
	v7 =	vadd.f32 v14, v7  }
0x4b: {  	s30 =	simm.s32 $0x1AF50;
	v14 =	vld.idx.msk [tilespmem:v18+s4+$0x0], $0xffff  }
0x4c: {  	s31 =	simm.s32 $0xFFFFFF60;
	s3 =	simm.s32 $0x0;
	[tilespmem:s30+$0x40] =	vst v7;
	v7 =	vld.idx.msk [tilespmem:v20+s4+$0x0], $0xffff  }
.LBB2_4:
0x4d: {  	v13 =	vld.idx.msk [tilespmem:v13+s4+$0x0], $0xffff;
	s2 =	smov.u32 s28;
	s28 =	sadd.s32 $0xA0, s28  }
0x4e: {  	s7 =	sadd.s32 $0xC0, s2;
	s8 =	sadd.s32 $0xD0, s2;
	s11 =	sadd.s32 $0xE0, s2;
	v10 =	vld.idx.msk [tilespmem:v10+s4+$0x0], $0xffff  }
0x4f: {  	s12 =	sadd.s32 $0xF0, s2;
	s13 =	sadd.s32 $0x100, s2;
	s14 =	sadd.s32 $0x110, s2;
	v16 =	vadd.f32 v17, v16;
	v11 =	vld.idx.msk [tilespmem:v11+s4+$0x0], $0xffff  }
0x50: {  	s3 =	sand.u32 $0xF80, s3;
	s0 =	sand.u32 $0x60, s28;
	s7 =	sand.u32 $0x60, s7;
	v12 =	vld.idx.msk [tilespmem:v12+s4+$0x0], $0xffff  }
0x51: {  	s8 =	sand.u32 $0x70, s8;
	s11 =	sand.u32 $0x60, s11;
	s19 =	sand.u32 $0x70, s12;
	v14 =	vadd.f32 v15, v14;
	[tilespmem:s30+$0xFFFFFFB0] =	vst v16;
	v9 =	vld.idx.msk [tilespmem:v9+s4+$0x0], $0xffff  }
0x52: {  	s3 =	sor.u32 s29, s3;
	s13 =	sand.u32 $0x60, s13;
	s14 =	sand.u32 $0x70, s14;
	v8 =	vld.idx.msk [tilespmem:v8+s4+$0x0], $0xffff  }
0x53: {  	s26 =	sadd.s32 $0x140, s26;
	s29 =	sor.u32 $0x10, s0;
	s12 =	sadd.s32 $0x130, s2;
	[tilespmem:s3+$0x1AF00] =	vst v14;
	v0 =	vld.idx.msk [tilespmem:v0+s4+$0x0], $0xffff  }
0x54: {  	s20 =	sand.u32 $0x3F00, s26;
	s12 =	sand.u32 $0x70, s12;
	s3 =	sadd.s32 $0xFFFFFEE0, s26;
	v1 =	vld.idx.msk [tilespmem:v1+s4+$0x0], $0xffff  }
0x55: {  	s21 =	sadd.s32 $0xFFFFFF20, s26;
	s16 =	sadd.s32 $0xFFFFFF40, s26;
	s12 =	sor.u32 s12, s20;
	v6 =	vld.idx.msk [tilespmem:v6+s4+$0x0], $0xffff  }
0x56: {  	s18 =	sadd.s32 $0xFFFFFF80, s26;
	s20 =	sadd.s32 $0xFFFFFF60, s26;
	s1 =	sadd.s32 $0x18700, s12;
	v14 =	vld [tilespmem:s12+$0x18700]  }
0x57: {  	s9 =	sadd.s32 $0xFFFFFFC0, s26;
	s10 =	sadd.s32 $0xFFFFFFE0, s26;
	s12 =	sadd.s32 $0xFFFFFFA0, s26;
	v15 =	vld [tilespmem:s1+$0x80]  }
0x58: {  	s16 =	sand.u32 $0x3F00, s16;
	s1 =	sand.u32 $0x1F00, s3;
	s3 =	sand.u32 $0x3F00, s21;
	v5 =	vld.idx.msk [tilespmem:v5+s4+$0x0], $0xffff  }
0x59: {  	s18 =	sand.u32 $0x3F00, s18;
	s20 =	sand.u32 $0x3F00, s20;
	s21 =	sand.u32 $0x3F00, s12;
	v0 =	vadd.f32 v7, v0;
	v4 =	vld.idx.msk [tilespmem:v4+s4+$0x0], $0xffff  }
0x5a: {  	s9 =	sand.u32 $0x3F00, s9;
	s10 =	sand.u32 $0x3F00, s10;
	s1 =	sadd.s32 $0x18700, s1;
	v1 =	vadd.f32 v13, v1;
	v3 =	vld.idx.msk [tilespmem:v3+s4+$0x0], $0xffff  }
0x5b: {  	s16 =	sor.u32 s8, s16;
	s12 =	sor.u32 s11, s20;
	s3 =	sor.u32 s7, s3;
	v6 =	vadd.f32 v10, v6;
	[tilespmem:s30+$0xFFFFFFD0] =	vst v0;
	v2 =	vld.idx.msk [tilespmem:v2+s4+$0x0], $0xffff  }
0x5c: {  	s8 =	sor.u32 s19, s18;
	s7 =	sor.u32 s13, s21;
	s13 =	sor.u32 s14, s9;
	v0 =	vld [tilespmem:s3+$0x18700];
	[tilespmem:s30+$0xFFFFFFE0] =	vst v1  }
0x5d: {  	s10 =	sor.u32 s0, s10;
	s9 =	sor.u32 s0, s1;
	s1 =	sor.u32 s29, s1;
	v1 =	vld [tilespmem:s16+$0x18700];
	[tilespmem:s30+$0xFFFFFFF0] =	vst v6  }
0x5e: {  	s14 =	sadd.s32 $0x18700, s16;
	s11 =	sadd.s32 $0x18700, s3;
	s16 =	sadd.s32 $0x18700, s12;
	v5 =	vadd.f32 v11, v5;
	v6 =	vld.idx.msk [tilespmem:v14+s4+$0x0], $0xffff  }
0x5f: {  	s18 =	sadd.s32 $0x18700, s8;
	s19 =	sadd.s32 $0x18700, s7;
	s20 =	sadd.s32 $0x18700, s13;
	v4 =	vadd.f32 v12, v4;
	v7 =	vld.idx.msk [tilespmem:v15+s4+$0x0], $0xffff  }
0x60: {  	p1 =	slt.u32 s28, $0x960;
	s21 =	sadd.s32 $0x18700, s10;
	s3 =	sadd.s32 $0x120, s31;
	v3 =	vadd.f32 v9, v3;
	v14 =	vld [tilespmem:s9+$0x0];
	[tilespmem:s30+$0x0] =	vst v5  }
0x61: {  	s31 =	smov.u32 s2;
	v2 =	vadd.f32 v8, v2;
	v15 =	vld [tilespmem:s9+$0x80];
	[tilespmem:s30+$0x10] =	vst v4;
	s9 =	sand.u32 $0x1F80, s3;
	s3 =	smov.u32 s28  }
0x62: {  	v18 =	vld [tilespmem:s1+$0x0];
	[tilespmem:s30+$0x20] =	vst v3;
	s2 =	sor.u32 s25, s9;
	s25 =	smov.u32 s0  }
0x63: {  	v19 =	vld [tilespmem:s1+$0x80];
	[tilespmem:s2+$0x1AF00] =	vst v2  }
0x64: {  	v20 =	vld [tilespmem:s11+$0x80]  }
0x65: {  	v2 =	vadd.f32 v7, v6;
	v13 =	vld [tilespmem:s14+$0x80]  }
0x66: {  	s30 =	sadd.s32 $0xA0, s30;
	v10 =	vld [tilespmem:s16+$0x80]  }
0x67: {  	v11 =	vld [tilespmem:s18+$0x80];
	[tilespmem:s30+$0x40] =	vst v2  }
0x68: {  	v12 =	vld [tilespmem:s19+$0x80]  }
0x69: {  	v9 =	vld [tilespmem:s20+$0x80]  }
0x6a: {  	v8 =	vld [tilespmem:s21+$0x80]  }
0x6b: {  	v6 =	vld [tilespmem:s12+$0x18700]  }
0x6c: {  	v5 =	vld [tilespmem:s8+$0x18700]  }
0x6d: {  	v4 =	vld [tilespmem:s7+$0x18700]  }
0x6e: {  	v3 =	vld [tilespmem:s13+$0x18700]  }
0x6f: {  	v2 =	vld [tilespmem:s10+$0x18700]  }
.Ltmp5:
0x70: {  	v16 =	vld.idx.msk [tilespmem:v14+s4+$0x0], $0xffff;
	(pc) =	sbr.rel @p1 .LBB2_4-.Ltmp5, $4  }
0x71: {  	v17 =	vld.idx.msk [tilespmem:v15+s4+$0x0], $0xffff  }
0x72: {  	v14 =	vld.idx.msk [tilespmem:v18+s4+$0x0], $0xffff  }
0x73: {  	v15 =	vld.idx.msk [tilespmem:v19+s4+$0x0], $0xffff  }
0x74: {  	v7 =	vld.idx.msk [tilespmem:v20+s4+$0x0], $0xffff  }
0x75: {  	_ =	sdelay $0x3  }
0x76: {  	v13 =	vld.idx.msk [tilespmem:v13+s4+$0x0], $0xffff  }
0x77: {  	v10 =	vld.idx.msk [tilespmem:v10+s4+$0x0], $0xffff  }
0x78: {  	v11 =	vld.idx.msk [tilespmem:v11+s4+$0x0], $0xffff  }
0x79: {  	v12 =	vld.idx.msk [tilespmem:v12+s4+$0x0], $0xffff  }
0x7a: {  	v0 =	vld.idx.msk [tilespmem:v0+s4+$0x0], $0xffff  }
0x7b: {  	v1 =	vld.idx.msk [tilespmem:v1+s4+$0x0], $0xffff  }
0x7c: {  	v6 =	vld.idx.msk [tilespmem:v6+s4+$0x0], $0xffff  }
0x7d: {  	v5 =	vld.idx.msk [tilespmem:v5+s4+$0x0], $0xffff;
	v16 =	vadd.f32 v17, v16  }
0x7e: {  	s0 =	sand.u32 $0xF80, s3;
	v4 =	vld.idx.msk [tilespmem:v4+s4+$0x0], $0xffff;
	v14 =	vadd.f32 v15, v14  }
0x7f: {  	v9 =	vld.idx.msk [tilespmem:v9+s4+$0x0], $0xffff;
	s0 =	sor.u32 s29, s0;
	[tilespmem:s30+$0xFFFFFFB0] =	vst v16;
	v0 =	vadd.f32 v7, v0  }
0x80: {  	v8 =	vld.idx.msk [tilespmem:v8+s4+$0x0], $0xffff;
	[tilespmem:s0+$0x1AF00] =	vst v14;
	v1 =	vadd.f32 v13, v1  }
0x81: {  	v3 =	vld.idx.msk [tilespmem:v3+s4+$0x0], $0xffff;
	v59 =	vadd.f32 v10, v6;
	[tilespmem:s30+$0xFFFFFFD0] =	vst v0  }
0x82: {  	v2 =	vld.idx.msk [tilespmem:v2+s4+$0x0], $0xffff;
	v60 =	vadd.f32 v11, v5;
	[tilespmem:s30+$0xFFFFFFE0] =	vst v1  }
0x83: {  	v61 =	vadd.f32 v12, v4;
	[tilespmem:s30+$0xFFFFFFF0] =	vst v59  }
0x84: {  	[tilespmem:s30+$0x0] =	vst v60  }
0x85: {  	[tilespmem:s30+$0x10] =	vst v61  }
0x86: {  	s29 =	sadd.s32 $0x120, s31;
	v62 =	vadd.f32 v9, v3;
	s2 =	rddreg [dreg:$0x6]  }
0x87: {  	s1 =	smul.u32 $0x140, s24;
	v63 =	vadd.f32 v8, v2;
	s0 =	sand.u32 $0x1F80, s29;
	s2 =	sadd.s32 s2, s23  }
0x88: {  	s31 =	simm.s32 $0x1AF00;
	s0 =	sor.u32 s25, s0;
	[tilespmem:s30+$0x20] =	vst v62;
	p1 =	sgt.u32 s2, $0x9C3  }
0x89: {  	[tilespmem:s0+$0x1AF00] =	vst v63;
	s30 =	sadd.s32 s6, s1;
	s0 =	rddreg [dreg:$0x0];
	s1 =	smul.u32 @!p1 $0x280, s2  }
0x8a: {  	[hbm4b:s30+s4] =	stream.linear.scatter [tilespmem:s31], [sflag:$0x3], $0xA00, $0x38;
	[tilespmem:$0x1C300] =	vst v63  }
0x8b: {  	s2 =	simm.s32 @!p1 $0x18700;
	s0 =	sadd.s32 @!p1 s0, s1;
	s1 =	simm.s32 @!p1 $0x0  }
0x8c: {  	[tilespmem:s2], [sflag:$0x1] =	stream.linear.gather @!p1 [hbm4b:s0+s1], $0x1400, $0x38;
	[tilespmem:$0x1C300] =	vst v63  }
.LBB2_6:
0x8d: {  	s24 =	sor.u32 $0x20, s24  }
0x8e: {  	p1 =	sgt.u32 s24, $0x9C3  }
.Ltmp6:
0x8f: {  	_ = 	snop;
	(pc) =	sbr.rel @p1 .LBB2_10-.Ltmp6, $1  }
0x90: {  	_ =	sdelay $0x3  }
0x91: {  	_ =	swait.ge [sflag:s17], $0x1400;
	s0 =	simm.s32 @!p0 $0x4  }
0x92: {  	s26 =	simm.s32 $0x120;
	s1 =	simm.s32 $0x90;
	[sflag:s17] =	ssyncset.done $0x0  }
0x93: {  	s14 =	simm.s32 $0x20;
	s16 =	simm.s32 $0x30;
	[sflag:s17] =	ssyncadd.s32 $0xFFFFEC00  }
0x94: {  	s18 =	simm.s32 $0x40;
	s3 =	simm.s32 $0x60;
	_ =	swait.ge @!p0 [sflag:s0], $0xA00  }
0x95: {  	s1 =	sand.u32 $0x70, s1;
	s2 =	sand.u32 $0x3F00, s26;
	[sflag:s0] =	ssyncset.done @!p0 $0x0  }
0x96: {  	s19 =	simm.s32 $0x0;
	s13 =	sor.u32 s1, s2;
	[sflag:s0] =	ssyncadd.s32 @!p0 $0xFFFFF600  }
0x97: {  	s2 =	sand.u32 $0x3F00, s18;
	s1 =	sadd.s32 $0x19B00, s13;
	s0 =	sand.u32 $0x60, s14;
	v2 =	vld [tilespmem:s13+$0x19B00]  }
0x98: {  	s3 =	sand.u32 $0x3F00, s3;
	v3 =	vld [tilespmem:s1+$0x80];
	s1 =	sand.u32 $0x70, s16;
	s0 =	sor.u32 s0, s2  }
0x99: {  	s28 =	simm.s32 $0x0;
	s2 =	sand.u32 $0x1F00, s19;
	s1 =	sor.u32 s1, s3;
	v0 =	vld [tilespmem:s0+$0x19B00]  }
0x9a: {  	s25 =	sand.u32 $0x60, s28;
	s2 =	sadd.s32 $0x19B00, s2;
	s0 =	sadd.s32 $0x19B00, s0;
	v1 =	vld [tilespmem:s1+$0x19B00]  }
0x9b: {  	s10 =	sor.u32 s25, s2;
	v20 =	vld [tilespmem:s0+$0x80]  }
0x9c: {  	s20 =	simm.s32 $0x40;
	s29 =	sor.u32 $0x10, s25;
	v15 =	vld [tilespmem:s10+$0x0]  }
0x9d: {  	s7 =	simm.s32 $0x50;
	s8 =	simm.s32 $0x60;
	s2 =	sor.u32 s29, s2;
	v17 =	vld [tilespmem:s10+$0x80]  }
0x9e: {  	s9 =	simm.s32 $0x70;
	s11 =	simm.s32 $0x80;
	s21 =	simm.s32 $0xA0;
	v18 =	vld [tilespmem:s2+$0x0]  }
0x9f: {  	s11 =	sand.u32 $0x3F00, s11;
	s3 =	sand.u32 $0x60, s20;
	s1 =	sadd.s32 $0x19B00, s1;
	v19 =	vld [tilespmem:s2+$0x80]  }
0xa0: {  	s12 =	simm.s32 $0xC0;
	s8 =	sand.u32 $0x60, s8;
	s3 =	sor.u32 s3, s11;
	v13 =	vld [tilespmem:s1+$0x80]  }
0xa1: {  	s13 =	simm.s32 $0xE0;
	s11 =	sand.u32 $0x3F00, s12;
	s12 =	sadd.s32 $0x19B00, s3;
	v6 =	vld [tilespmem:s3+$0x19B00]  }
0xa2: {  	s9 =	sand.u32 $0x70, s9;
	s13 =	sand.u32 $0x3F00, s13;
	s0 =	sor.u32 s8, s11;
	v10 =	vld [tilespmem:s12+$0x80]  }
0xa3: {  	s7 =	sand.u32 $0x70, s7;
	s1 =	sor.u32 s9, s13;
	s19 =	sadd.s32 $0x19B00, s0;
	v4 =	vld [tilespmem:s0+$0x19B00]  }
0xa4: {  	s14 =	simm.s32 $0x100;
	s10 =	sand.u32 $0x3F00, s21;
	s20 =	sadd.s32 $0x19B00, s1;
	v12 =	vld [tilespmem:s19+$0x80]  }
0xa5: {  	s18 =	sand.u32 $0x3F00, s14;
	s2 =	sor.u32 s7, s10;
	v9 =	vld [tilespmem:s20+$0x80]  }
0xa6: {  	s7 =	sor.u32 s25, s18;
	s16 =	sadd.s32 $0x19B00, s2;
	v5 =	vld [tilespmem:s2+$0x19B00]  }
0xa7: {  	s21 =	sadd.s32 $0x19B00, s7;
	v11 =	vld [tilespmem:s16+$0x80]  }
0xa8: {  	v8 =	vld [tilespmem:s21+$0x80]  }
0xa9: {  	v7 =	vld.idx.msk [tilespmem:v2+s4+$0x0], $0xffff  }
0xaa: {  	v14 =	vld.idx.msk [tilespmem:v3+s4+$0x0], $0xffff  }
0xab: {  	v3 =	vld [tilespmem:s1+$0x19B00]  }
0xac: {  	v2 =	vld [tilespmem:s7+$0x19B00]  }
0xad: {  	v16 =	vld.idx.msk [tilespmem:v15+s4+$0x0], $0xffff  }
0xae: {  	v17 =	vld.idx.msk [tilespmem:v17+s4+$0x0], $0xffff  }
0xaf: {  	v15 =	vld.idx.msk [tilespmem:v19+s4+$0x0], $0xffff;
	v7 =	vadd.f32 v14, v7  }
0xb0: {  	s30 =	simm.s32 $0x1B950;
	v14 =	vld.idx.msk [tilespmem:v18+s4+$0x0], $0xffff  }
0xb1: {  	s31 =	simm.s32 $0xFFFFFF60;
	s3 =	simm.s32 $0x0;
	[tilespmem:s30+$0x40] =	vst v7;
	v7 =	vld.idx.msk [tilespmem:v20+s4+$0x0], $0xffff  }
.LBB2_8:
0xb2: {  	v13 =	vld.idx.msk [tilespmem:v13+s4+$0x0], $0xffff;
	s2 =	smov.u32 s28;
	s28 =	sadd.s32 $0xA0, s28  }
0xb3: {  	s1 =	sadd.s32 $0xC0, s2;
	s7 =	sadd.s32 $0xD0, s2;
	s8 =	sadd.s32 $0xE0, s2;
	v10 =	vld.idx.msk [tilespmem:v10+s4+$0x0], $0xffff  }
0xb4: {  	s9 =	sadd.s32 $0xF0, s2;
	s10 =	sadd.s32 $0x100, s2;
	s11 =	sadd.s32 $0x110, s2;
	v16 =	vadd.f32 v17, v16;
	v11 =	vld.idx.msk [tilespmem:v11+s4+$0x0], $0xffff  }
0xb5: {  	s3 =	sand.u32 $0xF80, s3;
	s0 =	sand.u32 $0x60, s28;
	s1 =	sand.u32 $0x60, s1;
	v12 =	vld.idx.msk [tilespmem:v12+s4+$0x0], $0xffff  }
0xb6: {  	s7 =	sand.u32 $0x70, s7;
	s8 =	sand.u32 $0x60, s8;
	s9 =	sand.u32 $0x70, s9;
	v14 =	vadd.f32 v15, v14;
	[tilespmem:s30+$0xFFFFFFB0] =	vst v16;
	v9 =	vld.idx.msk [tilespmem:v9+s4+$0x0], $0xffff  }
0xb7: {  	s3 =	sor.u32 s29, s3;
	s10 =	sand.u32 $0x60, s10;
	s11 =	sand.u32 $0x70, s11;
	v8 =	vld.idx.msk [tilespmem:v8+s4+$0x0], $0xffff  }
0xb8: {  	s26 =	sadd.s32 $0x140, s26;
	s12 =	sadd.s32 $0x130, s2;
	s29 =	sor.u32 $0x10, s0;
	[tilespmem:s3+$0x1B900] =	vst v14;
	v0 =	vld.idx.msk [tilespmem:v0+s4+$0x0], $0xffff  }
0xb9: {  	s13 =	sand.u32 $0x3F00, s26;
	s12 =	sand.u32 $0x70, s12;
	s3 =	sadd.s32 $0xFFFFFEE0, s26;
	v1 =	vld.idx.msk [tilespmem:v1+s4+$0x0], $0xffff  }
0xba: {  	s14 =	sadd.s32 $0xFFFFFF20, s26;
	s16 =	sadd.s32 $0xFFFFFF40, s26;
	s12 =	sor.u32 s12, s13;
	v6 =	vld.idx.msk [tilespmem:v6+s4+$0x0], $0xffff  }
0xbb: {  	s18 =	sadd.s32 $0xFFFFFF80, s26;
	s13 =	sadd.s32 $0xFFFFFF60, s26;
	s19 =	sadd.s32 $0x19B00, s12;
	v14 =	vld [tilespmem:s12+$0x19B00]  }
0xbc: {  	s20 =	sadd.s32 $0xFFFFFFC0, s26;
	s21 =	sadd.s32 $0xFFFFFFE0, s26;
	s12 =	sadd.s32 $0xFFFFFFA0, s26;
	v15 =	vld [tilespmem:s19+$0x80]  }
0xbd: {  	s14 =	sand.u32 $0x3F00, s14;
	s16 =	sand.u32 $0x3F00, s16;
	s3 =	sand.u32 $0x1F00, s3;
	v5 =	vld.idx.msk [tilespmem:v5+s4+$0x0], $0xffff  }
0xbe: {  	s18 =	sand.u32 $0x3F00, s18;
	s13 =	sand.u32 $0x3F00, s13;
	s19 =	sand.u32 $0x3F00, s12;
	v0 =	vadd.f32 v7, v0;
	v4 =	vld.idx.msk [tilespmem:v4+s4+$0x0], $0xffff  }
0xbf: {  	s20 =	sand.u32 $0x3F00, s20;
	s21 =	sand.u32 $0x3F00, s21;
	s3 =	sadd.s32 $0x19B00, s3;
	v1 =	vadd.f32 v13, v1;
	v3 =	vld.idx.msk [tilespmem:v3+s4+$0x0], $0xffff  }
0xc0: {  	s1 =	sor.u32 s1, s14;
	s14 =	sor.u32 s7, s16;
	s12 =	sor.u32 s8, s13;
	v6 =	vadd.f32 v10, v6;
	[tilespmem:s30+$0xFFFFFFD0] =	vst v0;
	v2 =	vld.idx.msk [tilespmem:v2+s4+$0x0], $0xffff  }
0xc1: {  	s8 =	sor.u32 s9, s18;
	s13 =	sor.u32 s11, s20;
	s7 =	sor.u32 s10, s19;
	v0 =	vld [tilespmem:s1+$0x19B00];
	[tilespmem:s30+$0xFFFFFFE0] =	vst v1  }
0xc2: {  	s9 =	sor.u32 s0, s3;
	s11 =	sor.u32 s0, s21;
	s10 =	sor.u32 s29, s3;
	v1 =	vld [tilespmem:s14+$0x19B00];
	[tilespmem:s30+$0xFFFFFFF0] =	vst v6  }
0xc3: {  	s16 =	sadd.s32 $0x19B00, s12;
	s1 =	sadd.s32 $0x19B00, s1;
	s14 =	sadd.s32 $0x19B00, s14;
	v5 =	vadd.f32 v11, v5;
	v6 =	vld.idx.msk [tilespmem:v14+s4+$0x0], $0xffff  }
0xc4: {  	s18 =	sadd.s32 $0x19B00, s8;
	s20 =	sadd.s32 $0x19B00, s13;
	s19 =	sadd.s32 $0x19B00, s7;
	v4 =	vadd.f32 v12, v4;
	v7 =	vld.idx.msk [tilespmem:v15+s4+$0x0], $0xffff  }
0xc5: {  	p0 =	slt.u32 s28, $0x960;
	s21 =	sadd.s32 $0x19B00, s11;
	s3 =	sadd.s32 $0x120, s31;
	v3 =	vadd.f32 v9, v3;
	v14 =	vld [tilespmem:s9+$0x0];
	[tilespmem:s30+$0x0] =	vst v5  }
0xc6: {  	s31 =	smov.u32 s2;
	v2 =	vadd.f32 v8, v2;
	v15 =	vld [tilespmem:s9+$0x80];
	[tilespmem:s30+$0x10] =	vst v4;
	s9 =	sand.u32 $0x1F80, s3;
	s3 =	smov.u32 s28  }
0xc7: {  	v18 =	vld [tilespmem:s10+$0x0];
	[tilespmem:s30+$0x20] =	vst v3;
	s2 =	sor.u32 s25, s9;
	s25 =	smov.u32 s0  }
0xc8: {  	v19 =	vld [tilespmem:s10+$0x80];
	[tilespmem:s2+$0x1B900] =	vst v2  }
0xc9: {  	v20 =	vld [tilespmem:s1+$0x80]  }
0xca: {  	v2 =	vadd.f32 v7, v6;
	v13 =	vld [tilespmem:s14+$0x80]  }
0xcb: {  	s30 =	sadd.s32 $0xA0, s30;
	v10 =	vld [tilespmem:s16+$0x80]  }
0xcc: {  	v11 =	vld [tilespmem:s18+$0x80];
	[tilespmem:s30+$0x40] =	vst v2  }
0xcd: {  	v12 =	vld [tilespmem:s19+$0x80]  }
0xce: {  	v9 =	vld [tilespmem:s20+$0x80]  }
0xcf: {  	v8 =	vld [tilespmem:s21+$0x80]  }
0xd0: {  	v6 =	vld [tilespmem:s12+$0x19B00]  }
0xd1: {  	v5 =	vld [tilespmem:s8+$0x19B00]  }
0xd2: {  	v4 =	vld [tilespmem:s7+$0x19B00]  }
0xd3: {  	v3 =	vld [tilespmem:s13+$0x19B00]  }
0xd4: {  	v2 =	vld [tilespmem:s11+$0x19B00]  }
.Ltmp7:
0xd5: {  	v16 =	vld.idx.msk [tilespmem:v14+s4+$0x0], $0xffff;
	(pc) =	sbr.rel @p0 .LBB2_8-.Ltmp7, $4  }
0xd6: {  	v17 =	vld.idx.msk [tilespmem:v15+s4+$0x0], $0xffff  }
0xd7: {  	v14 =	vld.idx.msk [tilespmem:v18+s4+$0x0], $0xffff  }
0xd8: {  	v15 =	vld.idx.msk [tilespmem:v19+s4+$0x0], $0xffff  }
0xd9: {  	v7 =	vld.idx.msk [tilespmem:v20+s4+$0x0], $0xffff  }
0xda: {  	_ =	sdelay $0x3  }
0xdb: {  	v13 =	vld.idx.msk [tilespmem:v13+s4+$0x0], $0xffff  }
0xdc: {  	v10 =	vld.idx.msk [tilespmem:v10+s4+$0x0], $0xffff  }
0xdd: {  	v11 =	vld.idx.msk [tilespmem:v11+s4+$0x0], $0xffff  }
0xde: {  	v12 =	vld.idx.msk [tilespmem:v12+s4+$0x0], $0xffff  }
0xdf: {  	v0 =	vld.idx.msk [tilespmem:v0+s4+$0x0], $0xffff  }
0xe0: {  	v1 =	vld.idx.msk [tilespmem:v1+s4+$0x0], $0xffff  }
0xe1: {  	v6 =	vld.idx.msk [tilespmem:v6+s4+$0x0], $0xffff  }
0xe2: {  	v5 =	vld.idx.msk [tilespmem:v5+s4+$0x0], $0xffff;
	v16 =	vadd.f32 v17, v16  }
0xe3: {  	s0 =	sand.u32 $0xF80, s3;
	v4 =	vld.idx.msk [tilespmem:v4+s4+$0x0], $0xffff;
	v14 =	vadd.f32 v15, v14  }
0xe4: {  	v9 =	vld.idx.msk [tilespmem:v9+s4+$0x0], $0xffff;
	s0 =	sor.u32 s29, s0;
	[tilespmem:s30+$0xFFFFFFB0] =	vst v16;
	v0 =	vadd.f32 v7, v0  }
0xe5: {  	v8 =	vld.idx.msk [tilespmem:v8+s4+$0x0], $0xffff;
	[tilespmem:s0+$0x1B900] =	vst v14;
	v1 =	vadd.f32 v13, v1  }
0xe6: {  	v3 =	vld.idx.msk [tilespmem:v3+s4+$0x0], $0xffff;
	v59 =	vadd.f32 v10, v6;
	[tilespmem:s30+$0xFFFFFFD0] =	vst v0  }
0xe7: {  	v2 =	vld.idx.msk [tilespmem:v2+s4+$0x0], $0xffff;
	v60 =	vadd.f32 v11, v5;
	[tilespmem:s30+$0xFFFFFFE0] =	vst v1  }
0xe8: {  	v61 =	vadd.f32 v12, v4;
	[tilespmem:s30+$0xFFFFFFF0] =	vst v59  }
0xe9: {  	[tilespmem:s30+$0x0] =	vst v60  }
0xea: {  	[tilespmem:s30+$0x10] =	vst v61  }
0xeb: {  	s1 =	smul.u32 $0x140, s24;
	s29 =	sadd.s32 $0x120, s31;
	v62 =	vadd.f32 v9, v3;
	s2 =	rddreg [dreg:$0x7]  }
0xec: {  	s31 =	simm.s32 $0x1B900;
	v63 =	vadd.f32 v8, v2;
	s0 =	sand.u32 $0x1F80, s29;
	s2 =	sadd.s32 s2, s23  }
.Ltmp8:
0xed: {  	s0 =	sor.u32 s25, s0;
	[tilespmem:s30+$0x20] =	vst v62;
	p0 =	sgt.u32 s2, $0x9C3;
	(pc) =	sbr.rel .LBB2_10-.Ltmp8, $4  }
0xee: {  	[tilespmem:s0+$0x1B900] =	vst v63;
	s30 =	sadd.s32 s6, s1;
	s0 =	rddreg [dreg:$0x0];
	s1 =	smul.u32 @!p0 $0x280, s2  }
0xef: {  	[hbm4b:s30+s4] =	stream.linear.scatter [tilespmem:s31], [sflag:$0x4], $0xA00, $0x38;
	[tilespmem:$0x1C300] =	vst v63  }
0xf0: {  	s2 =	simm.s32 @!p0 $0x19B00;
	s0 =	sadd.s32 @!p0 s0, s1;
	s1 =	simm.s32 @!p0 $0x0  }
0xf1: {  	[tilespmem:s2], [sflag:$0x2] =	stream.linear.gather @!p0 [hbm4b:s0+s1], $0x1400, $0x38;
	[tilespmem:$0x1C300] =	vst v63  }
.LBB2_12:
0xf2: {  	_ =	sfence.sel $0x180000  }
0xf3: {  	[bflag:$0x0] =	sbarrier.arrive $0xFFFF  }
0xf4: {  	_ =	strace $0x90000047  }
0xf5: {  	s0 =	stileid.u32;
	[bflag:$0x2] =	sbarrier.arrive $0xFFFF  }
0xf6: {  	p0 =	sne.s32 s0, $0x0;
	s0 =	rddreg [dreg:$0x3]  }
0xf7: {  	s0 =	sadd.s32 @!p0 $0x100000, s0  }
0xf8: {  	[sflag:s0] =	ssyncadd.tile.s32 @!p0 $0x1;
	_ =	shalt  }
.Lfunc_end2:
_tile_overlayer_lowered:
.L_overlay_start_2:
0xf9: {  	(tag) =	ssettag $0x2  }
0xfa: {  	s0 =	rddreg [dreg:$0x0];
	s2 =	stileid.u32  }
0xfb: {  	s1 =	rddreg [dreg:$0x1];
	p0 =	sne.s32 s2, $0x0  }
0xfc: {  	s3 =	rddreg [dreg:$0x2];
	[bflag:$0x3] =	sbarrier.arrive $0xFFFF;
	s2 =	simm.s32 @!p0 $0x1C05  }
0xfd: {  	[timem:s3], [sflag:s2] =	dma.local @!p0 [hbm:s0], s1  }
0xfe: {  	s0 =	simm.s32 @!p0 $0x5  }
0xff: {  	_ =	swait.ge @!p0 [sflag:s0], s1  }
0x100: {  	s1 =	ssub.s32 @!p0 $0x0, s1;
	[sflag:s0] =	ssyncset.done @!p0 $0x0  }
0x101: {  	[sflag:s0] =	ssyncadd.s32 @!p0 s1  }
0x102: {  	[bflag:$0x3] =	sbarrier.arrive $0xFFFF  }
0x103: {  	_ =	shalt  }

</sc_bundles>
